<compile_context>
chip_gen: v7x
topology: tpu7x:2x2x1
jax: 0.10.2.dev20260603
libtpu: 0.0.44.dev20260713+nightly
codegen_flags: <defaults>
</compile_context>

<pallas_src>
import jax
import jax.numpy as jnp
from jax import lax
from jax.experimental import pallas as pl
from jax.experimental.pallas import tpu as pltpu
from jax.experimental.pallas import tpu_sc as plsc

N_NODES = 10000
D = 128
NPAD = 10240
ROWS_PER_TILE = NPAD // 16
DR = NPAD // 16
NC = 2
NS = 16
CHUNK = 64
NCH = 160
GRP = NCH // 4
EPT = NCH * CHUNK
EPAD = NC * NS * EPT


def _rsqrt16(d):
    y = jnp.full((16,), 1.0, jnp.float32)
    for j in range(1, 21):
        y = jnp.where(d >= jnp.float32(2.0 ** j), jnp.float32(2.0 ** (-0.5 * (j + 1))), y)
    for _ in range(5):
        y = y * (1.5 - 0.5 * d * y * y)
    return y


def _sc_body(x_hbm, srcb, dstb, ewb, pout, dinv_out,
             src_v, dst_v, ew_v, dinv_v, rows0, rows1, norm_v, degbuf,
             p_sh, deg_sh, sg0, sg1):
    c = lax.axis_index("c")
    s = lax.axis_index("s")
    w = c * NS + s
    base = s * ROWS_PER_TILE

    def fill_deg(k, _):
        degbuf[pl.ds(k * 16, 16)] = jnp.full((16,), 1.0, jnp.float32)
        return _
    lax.fori_loop(0, ROWS_PER_TILE // 16, fill_deg, None)
    pltpu.sync_copy(degbuf, deg_sh.at[pl.ds(base, ROWS_PER_TILE)])

    def zero_row(r, _):
        for cc in range(D // 16):
            rows0[r, pl.ds(cc * 16, 16)] = jnp.zeros((16,), jnp.float32)
        return _
    lax.fori_loop(0, CHUNK, zero_row, None)
    for t in range(ROWS_PER_TILE // CHUNK):
        pltpu.sync_copy(rows0, p_sh.at[pl.ds(base + t * CHUNK, CHUNK)])
    plsc.subcore_barrier()

    n_groups = NCH // GRP

    def deg_group(i, _):
        blk = s + (i // n_groups) * NS
        g = i % n_groups
        pltpu.sync_copy(dstb.at[blk, pl.ds(g * GRP, GRP)], dst_v)
        pltpu.sync_copy(ewb.at[blk, pl.ds(g * GRP, GRP)], ew_v)

        def deg_chunk(j, _2):
            pltpu.sync_copy(ew_v.at[j], deg_sh.at[dst_v.at[j]], add=True)
            return _2
        lax.fori_loop(0, GRP, deg_chunk, None)
        return _
    lax.fori_loop(0, 2 * n_groups, deg_group, None)
    plsc.subcore_barrier()

    pltpu.sync_copy(deg_sh.at[pl.ds(base, ROWS_PER_TILE)], degbuf)

    def rs_step(k, _):
        sl = pl.ds(k * 16, 16)
        degbuf[sl] = _rsqrt16(degbuf[sl])
        return _
    lax.fori_loop(0, ROWS_PER_TILE // 16, rs_step, None)
    pltpu.sync_copy(degbuf, deg_sh.at[pl.ds(base, ROWS_PER_TILE)])

    @pl.when(c == 0)
    def _():
        pltpu.sync_copy(degbuf, dinv_out.at[pl.ds(base, ROWS_PER_TILE)])
    plsc.subcore_barrier()
    pltpu.sync_copy(deg_sh, dinv_v)

    def norm_scale(j, rows_b):
        for cc in range(CHUNK // 16):
            sl = pl.ds(cc * 16, 16)
            si = src_v[j, sl]
            di = dst_v[j, sl]
            ds_ = plsc.load_gather(dinv_v, [si])
            dd_ = plsc.load_gather(dinv_v, [di])
            norm_v[sl] = ds_ * ew_v[j, sl] * dd_

        def scale2(r2, _2):
            for rr in range(2):
                r = r2 * 2 + rr
                nsp = plsc.load_gather(norm_v, [jnp.full((16,), r, jnp.int32)])
                for cc in range(D // 16):
                    sl = pl.ds(cc * 16, 16)
                    rows_b[r, sl] = rows_b[r, sl] * nsp
            return _2
        lax.fori_loop(0, CHUNK // 2, scale2, None)

    def fire_gather(j, rows_b, sem):
        pltpu.make_async_copy(x_hbm.at[src_v.at[j]], rows_b, sem).start()

    def wait_gather(j, rows_b, sem):
        pltpu.make_async_copy(x_hbm.at[src_v.at[j]], rows_b, sem).wait()

    def scatter(j, rows_b):
        pltpu.sync_copy(rows_b, p_sh.at[dst_v.at[j]], add=True)

    def group_body(g, _):
        pltpu.sync_copy(srcb.at[w, pl.ds(g * GRP, GRP)], src_v)
        pltpu.sync_copy(dstb.at[w, pl.ds(g * GRP, GRP)], dst_v)
        pltpu.sync_copy(ewb.at[w, pl.ds(g * GRP, GRP)], ew_v)
        fire_gather(0, rows0, sg0)
        fire_gather(1, rows1, sg1)

        def pair_body(p, _2):
            j0 = 2 * p
            j1 = j0 + 1
            wait_gather(j0, rows0, sg0)
            norm_scale(j0, rows0)
            scatter(j0, rows0)

            @pl.when(p < GRP // 2 - 1)
            def _f0():
                fire_gather(j0 + 2, rows0, sg0)
            wait_gather(j1, rows1, sg1)
            norm_scale(j1, rows1)
            scatter(j1, rows1)

            @pl.when(p < GRP // 2 - 1)
            def _f1():
                fire_gather(j1 + 2, rows1, sg1)
            return _2
        lax.fori_loop(0, GRP // 2, pair_body, None)
        return _
    lax.fori_loop(0, NCH // GRP, group_body, None)
    plsc.subcore_barrier()

    pltpu.sync_copy(p_sh.at[pl.ds(base, ROWS_PER_TILE)],
                    pout.at[c, pl.ds(base, ROWS_PER_TILE)])


def _sc_propagate(x, srcb, dstb, ewb):
    mesh = plsc.VectorSubcoreMesh(core_axis_name="c", subcore_axis_name="s")
    f = pl.kernel(
        _sc_body,
        out_type=[
            jax.ShapeDtypeStruct((NC, NPAD, D), jnp.float32),
            jax.ShapeDtypeStruct((NPAD,), jnp.float32),
        ],
        mesh=mesh,
        scratch_types=[
            pltpu.VMEM((GRP, CHUNK), jnp.int32),
            pltpu.VMEM((GRP, CHUNK), jnp.int32),
            pltpu.VMEM((GRP, CHUNK), jnp.float32),
            pltpu.VMEM((NPAD,), jnp.float32),
            pltpu.VMEM((CHUNK, D), jnp.float32),
            pltpu.VMEM((CHUNK, D), jnp.float32),
            pltpu.VMEM((CHUNK,), jnp.float32),
            pltpu.VMEM((ROWS_PER_TILE,), jnp.float32),
            pltpu.VMEM_SHARED((NPAD, D), jnp.float32),
            pltpu.VMEM_SHARED((NPAD,), jnp.float32),
            pltpu.SemaphoreType.DMA,
            pltpu.SemaphoreType.DMA,
        ],
        compiler_params=pltpu.CompilerParams(needs_layout_passes=False),
    )
    return f(x, srcb, dstb, ewb)


def _dense_body(x_ref, p0_ref, p1_ref, dv_ref, wz_ref, bz_ref, wh_ref, bh_ref,
                lzw_ref, lzb_ref, lhw_ref, lhb_ref, hw_ref, hb_ref, o_ref):
    dv = dv_ref[...]
    P = p0_ref[...] + p1_ref[...] + (dv * dv) * x_ref[...]
    f32 = jnp.float32
    mz = jnp.dot(wz_ref[...], lzw_ref[...], preferred_element_type=f32)
    cz = jnp.dot(bz_ref[...], lzw_ref[...], preferred_element_type=f32) + lzb_ref[...]
    z = jax.nn.sigmoid(jnp.dot(P, mz, preferred_element_type=f32) + cz)
    mh = jnp.dot(wh_ref[...], lhw_ref[...], preferred_element_type=f32)
    ch = jnp.dot(bh_ref[...], lhw_ref[...], preferred_element_type=f32) + lhb_ref[...]
    ht = jnp.tanh(jnp.dot(P, mh, preferred_element_type=f32) + ch)
    o_ref[...] = jnp.dot((1.0 - z) * ht, hw_ref[...], preferred_element_type=f32) + hb_ref[...]


def _dense(xp, p0, p1, dv2, Wz, bz, Wh, bh, Lzw1, Lzb, Lhw1, Lhb, head_w, head_b):
    blk = 1280
    grid = (NPAD // blk,)
    row = lambda i: (i, 0)
    fix = lambda i: (0, 0)
    return pl.pallas_call(
        _dense_body,
        grid=grid,
        in_specs=[
            pl.BlockSpec((blk, D), row),
            pl.BlockSpec((blk, D), row),
            pl.BlockSpec((blk, D), row),
            pl.BlockSpec((blk, 1), row),
            pl.BlockSpec((D, D), fix),
            pl.BlockSpec((1, D), fix),
            pl.BlockSpec((D, D), fix),
            pl.BlockSpec((1, D), fix),
            pl.BlockSpec((D, D), fix),
            pl.BlockSpec((1, D), fix),
            pl.BlockSpec((D, D), fix),
            pl.BlockSpec((1, D), fix),
            pl.BlockSpec((D, 1), fix),
            pl.BlockSpec((1, 1), fix),
        ],
        out_specs=pl.BlockSpec((blk, 1), row),
        out_shape=jax.ShapeDtypeStruct((NPAD, 1), jnp.float32),
    )(xp, p0, p1, dv2, Wz, bz, Wh, bh, Lzw1, Lzb, Lhw1, Lhb, head_w, head_b)


def kernel(x, edge_index, edge_weight, Wz, bz, Wr, br, Wh, bh,
           Lz_w, Lz_b, Lr_w, Lr_b, Lh_w, Lh_b, head_w, head_b):
    E = edge_index.shape[1]
    pad = EPAD - E
    src = jnp.concatenate([edge_index[0], jnp.zeros((pad,), jnp.int32)])
    dst = jnp.concatenate([edge_index[1], jnp.zeros((pad,), jnp.int32)])
    ew = jnp.concatenate([edge_weight, jnp.zeros((pad,), jnp.float32)])
    srcb = src.reshape(NC * NS, NCH, CHUNK)
    dstb = dst.reshape(NC * NS, NCH, CHUNK)
    ewb = ew.reshape(NC * NS, NCH, CHUNK)

    pout, dinv = _sc_propagate(x, srcb, dstb, ewb)

    xp = jnp.zeros((NPAD, D), jnp.float32).at[:N_NODES].set(x)
    out = _dense(
        xp, pout[0], pout[1], dinv.reshape(NPAD, 1),
        Wz, bz[None, :], Wh, bh[None, :],
        Lz_w[:D], Lz_b[None, :], Lh_w[:D], Lh_b[None, :],
        head_w, head_b[None, :],
    )
    return out[:N_NODES, 0]

# --- scband reference (transcript-rebuilt; emitter-appended) ---
"""Pipeline reference for scband-static-tgcn-8229157339737 (READ-ONLY COPY).

The authoritative reference and input builder live on the scoring server;
editing this copy changes nothing except your own understanding.
"""

import jax, jax.numpy as jnp
import numpy as np

N = 10000
E = 320000
D_IN = 128
D_HID = 128


def setup_inputs(seed: int = 0) -> dict:
    key = jax.random.key(seed)
    ks = jax.random.split(key, 24)
    inp = {}
    inp['x'] = jax.random.normal(ks[0], (N, D_IN), dtype=jnp.float32)
    inp['edge_index'] = jax.random.randint(ks[1], (2, E), 0, N, dtype=jnp.int32)
    inp['edge_weight'] = jax.random.uniform(ks[2], (E,), dtype=jnp.float32)

    def u(k, shape, fan_in):
        s = 1.0 / np.sqrt(fan_in)
        return jax.random.uniform(k, shape, dtype=jnp.float32, minval=-s, maxval=s)

    # GCNConv weights for z, r, h gates: [D_IN, D_HID] plus bias
    inp['Wz'] = u(ks[3], (D_IN, D_HID), D_IN)
    inp['bz'] = jnp.zeros((D_HID,), jnp.float32)
    inp['Wr'] = u(ks[4], (D_IN, D_HID), D_IN)
    inp['br'] = jnp.zeros((D_HID,), jnp.float32)
    inp['Wh'] = u(ks[5], (D_IN, D_HID), D_IN)
    inp['bh'] = jnp.zeros((D_HID,), jnp.float32)
    # Linear layers mapping cat([conv_out, H]) -> hidden: [2*D_HID, D_HID]
    inp['Lz_w'] = u(ks[6], (2 * D_HID, D_HID), 2 * D_HID)
    inp['Lz_b'] = u(ks[7], (D_HID,), 2 * D_HID)
    inp['Lr_w'] = u(ks[8], (2 * D_HID, D_HID), 2 * D_HID)
    inp['Lr_b'] = u(ks[9], (D_HID,), 2 * D_HID)
    inp['Lh_w'] = u(ks[10], (2 * D_HID, D_HID), 2 * D_HID)
    inp['Lh_b'] = u(ks[11], (D_HID,), 2 * D_HID)
    # head: Linear(D_HID, 1)
    inp['head_w'] = u(ks[12], (D_HID, 1), D_HID)
    inp['head_b'] = u(ks[13], (1,), D_HID)
    return inp


def _gcn_conv(x, src, dst, ew, W, b):
    # GCNConv with add_self_loops=True, symmetric normalization
    xw = x @ W
    loop = jnp.arange(N, dtype=src.dtype)
    src2 = jnp.concatenate([src, loop])
    dst2 = jnp.concatenate([dst, loop])
    ew2 = jnp.concatenate([ew, jnp.ones((N,), x.dtype)])
    deg = jnp.zeros((N,), x.dtype).at[dst2].add(ew2)
    dinv = jnp.where(deg > 0, jax.lax.rsqrt(deg), 0.0)
    norm = dinv[src2] * ew2 * dinv[dst2]
    msg = xw[src2] * norm[:, None]
    out = jnp.zeros((N, W.shape[1]), x.dtype).at[dst2].add(msg)
    return out + b


def reference(x, edge_index, edge_weight, Wz, bz, Wr, br, Wh, bh, Lz_w, Lz_b, Lr_w, Lr_b, Lh_w, Lh_b, head_w, head_b):
    src = edge_index[0]
    dst = edge_index[1]
    H = jnp.zeros((N, D_HID), x.dtype)
    Z = jax.nn.sigmoid(jnp.concatenate([_gcn_conv(x, src, dst, edge_weight, Wz, bz), H], axis=1) @ Lz_w + Lz_b)
    R = jax.nn.sigmoid(jnp.concatenate([_gcn_conv(x, src, dst, edge_weight, Wr, br), H], axis=1) @ Lr_w + Lr_b)
    H_tilde = jnp.tanh(jnp.concatenate([_gcn_conv(x, src, dst, edge_weight, Wh, bh), R * H], axis=1) @ Lh_w + Lh_b)
    H_new = Z * H + (1.0 - Z) * H_tilde
    # dropout p=0.0 -> identity; head + squeeze(-1)
    out = (H_new @ head_w + head_b)[:, 0]
    return out

if __name__ == "__main__":
    import jax
    _d = setup_inputs()
    print(jax.jit(kernel)(*tuple(_d.values())))

</pallas_src>

<mosaic_0001>
#map = affine_map<(d0, d1) -> (0, 0)>
#map1 = affine_map<(d0, d1) -> (0, 0, 0)>
#map2 = affine_map<(d0, d1) -> (0)>
module attributes {stable_mosaic.version = 14 : i64} {
  func.func @_sc_body(%arg0: i32, %arg1: i32, %arg2: memref<10000x128xf32, #tpu.memory_space<hbm>>, %arg3: memref<32x160x64xi32, #tpu.memory_space<hbm>>, %arg4: memref<32x160x64xi32, #tpu.memory_space<hbm>>, %arg5: memref<32x160x64xf32, #tpu.memory_space<hbm>>, %arg6: memref<2x10240x128xf32, #tpu.memory_space<hbm>>, %arg7: memref<10240xf32, #tpu.memory_space<hbm>>, %arg8: memref<40x64xi32, #tpu.memory_space<vmem>>, %arg9: memref<40x64xi32, #tpu.memory_space<vmem>>, %arg10: memref<40x64xf32, #tpu.memory_space<vmem>>, %arg11: memref<10240xf32, #tpu.memory_space<vmem>>, %arg12: memref<64x128xf32, #tpu.memory_space<vmem>>, %arg13: memref<64x128xf32, #tpu.memory_space<vmem>>, %arg14: memref<64xf32, #tpu.memory_space<vmem>>, %arg15: memref<640xf32, #tpu.memory_space<vmem>>, %arg16: memref<10240x128xf32, #tpu.memory_space<vmem_shared>>, %arg17: memref<10240xf32, #tpu.memory_space<vmem_shared>>, %arg18: memref<!tpu.dma_semaphore, #tpu.memory_space<semaphore_mem>>, %arg19: memref<!tpu.dma_semaphore, #tpu.memory_space<semaphore_mem>>) attributes {dimension_semantics = [#tpu.dimension_semantics<core_parallel>, #tpu.dimension_semantics<subcore_parallel>], iteration_bounds = array<i64: 2, 16>, scalar_prefetch = 0 : i64, scratch_operands = 12 : i64, tpu.core_type = #tpu.core_type<sc_vector_subcore>, window_params = [{transform_indices = #map}, {transform_indices = #map1}, {transform_indices = #map1}, {transform_indices = #map1}, {transform_indices = #map1}, {transform_indices = #map2}]} {
    %mul3A = arith.constant 16 : i32
    %mul3A_0 = arith.muli %arg0, %mul3A : i32
    %add3A = arith.addi %mul3A_0, %arg1 : i32
    %mul3A_1 = arith.constant 640 : i32
    %mul3A_2 = arith.muli %arg1, %mul3A_1 : i32
    %scan3A = arith.constant 0 : i32
    %scan3A_3 = arith.constant 40 : i32
    %scan3A_4 = arith.addi %scan3A, %scan3A_3 : i32
    %scan3A_5 = arith.constant 1 : i32
    scf.for %scan3A_52 = %scan3A to %scan3A_4 step %scan3A_5  : i32 {
      %broadcast_in_dim3A = arith.constant 1.000000e+00 : f32
      %broadcast_in_dim3A_53 = vector.broadcast %broadcast_in_dim3A : f32 to vector<16xf32>
      %mul3A_54 = arith.constant 16 : i32
      %mul3A_55 = arith.muli %scan3A_52, %mul3A_54 : i32
      %swap3A = arith.index_cast %mul3A_55 : i32 to index
      %swap3A_56 = tpu.vector_load %arg15[%swap3A] {strides = array<i32>} : memref<640xf32, #tpu.memory_space<vmem>>, vector<16xf32>,
      tpu.vector_store %arg15[%swap3A], %broadcast_in_dim3A_53 {strides = array<i32>} : memref<640xf32, #tpu.memory_space<vmem>>, vector<16xf32>,
    }
    %scan3A_6 = arith.constant 40 : i32
    "tpu.region"() ({
      %run_scoped3A = tpu.sem_alloc : memref<!tpu.dma_semaphore, #tpu.memory_space<semaphore_mem>>
      %dma_start3A = tpu.memref_slice %arg17[%mul3A_2] : memref<10240xf32, #tpu.memory_space<vmem_shared>> -> memref<640xf32, #tpu.memory_space<vmem_shared>>
      %dma_start3A_52 = tpu.memref_slice %arg17[%mul3A_2] : memref<10240xf32, #tpu.memory_space<vmem_shared>> -> memref<640xf32, #tpu.memory_space<vmem_shared>>
      tpu.enqueue_dma source(%arg15 : memref<640xf32, #tpu.memory_space<vmem>>) target(%dma_start3A_52 : memref<640xf32, #tpu.memory_space<vmem_shared>>) target_semaphore(%run_scoped3A : memref<!tpu.dma_semaphore, #tpu.memory_space<semaphore_mem>>)
      %dma_wait3A = tpu.memref_slice %arg17[%mul3A_2] : memref<10240xf32, #tpu.memory_space<vmem_shared>> -> memref<640xf32, #tpu.memory_space<vmem_shared>>
      %dma_wait3A_53 = tpu.memref_slice %arg17[%mul3A_2] : memref<10240xf32, #tpu.memory_space<vmem_shared>> -> memref<640xf32, #tpu.memory_space<vmem_shared>>
      tpu.wait_dma2 semaphore(%run_scoped3A : memref<!tpu.dma_semaphore, #tpu.memory_space<semaphore_mem>>) src(%arg15 : memref<640xf32, #tpu.memory_space<vmem>>) dst(%dma_wait3A_53 : memref<640xf32, #tpu.memory_space<vmem_shared>>)
      tpu.yield
    }) : () -> ()
    %scan3A_7 = arith.constant 0 : i32
    %scan3A_8 = arith.constant 64 : i32
    %scan3A_9 = arith.addi %scan3A_7, %scan3A_8 : i32
    %scan3A_10 = arith.constant 1 : i32
    scf.for %scan3A_52 = %scan3A_7 to %scan3A_9 step %scan3A_10  : i32 {
      %broadcast_in_dim3A = arith.constant 0.000000e+00 : f32
      %broadcast_in_dim3A_53 = vector.broadcast %broadcast_in_dim3A : f32 to vector<16xf32>
      %swap3A = arith.index_cast %scan3A_52 : i32 to index
      %swap3A_54 = arith.constant 0 : index
      %swap3A_55 = tpu.vector_load %arg12[%swap3A, %swap3A_54] {strides = array<i32>} : memref<64x128xf32, #tpu.memory_space<vmem>>, vector<16xf32>,
      tpu.vector_store %arg12[%swap3A, %swap3A_54], %broadcast_in_dim3A_53 {strides = array<i32>} : memref<64x128xf32, #tpu.memory_space<vmem>>, vector<16xf32>,
      %broadcast_in_dim3A_56 = arith.constant 0.000000e+00 : f32
      %broadcast_in_dim3A_57 = vector.broadcast %broadcast_in_dim3A_56 : f32 to vector<16xf32>
      %swap3A_58 = arith.index_cast %scan3A_52 : i32 to index
      %swap3A_59 = arith.constant 16 : index
      %swap3A_60 = tpu.vector_load %arg12[%swap3A_58, %swap3A_59] {strides = array<i32>} : memref<64x128xf32, #tpu.memory_space<vmem>>, vector<16xf32>,
      tpu.vector_store %arg12[%swap3A_58, %swap3A_59], %broadcast_in_dim3A_57 {strides = array<i32>} : memref<64x128xf32, #tpu.memory_space<vmem>>, vector<16xf32>,
      %broadcast_in_dim3A_61 = arith.constant 0.000000e+00 : f32
      %broadcast_in_dim3A_62 = vector.broadcast %broadcast_in_dim3A_61 : f32 to vector<16xf32>
      %swap3A_63 = arith.index_cast %scan3A_52 : i32 to index
      %swap3A_64 = arith.constant 32 : index
      %swap3A_65 = tpu.vector_load %arg12[%swap3A_63, %swap3A_64] {strides = array<i32>} : memref<64x128xf32, #tpu.memory_space<vmem>>, vector<16xf32>,
      tpu.vector_store %arg12[%swap3A_63, %swap3A_64], %broadcast_in_dim3A_62 {strides = array<i32>} : memref<64x128xf32, #tpu.memory_space<vmem>>, vector<16xf32>,
      %broadcast_in_dim3A_66 = arith.constant 0.000000e+00 : f32
      %broadcast_in_dim3A_67 = vector.broadcast %broadcast_in_dim3A_66 : f32 to vector<16xf32>
      %swap3A_68 = arith.index_cast %scan3A_52 : i32 to index
      %swap3A_69 = arith.constant 48 : index
      %swap3A_70 = tpu.vector_load %arg12[%swap3A_68, %swap3A_69] {strides = array<i32>} : memref<64x128xf32, #tpu.memory_space<vmem>>, vector<16xf32>,
      tpu.vector_store %arg12[%swap3A_68, %swap3A_69], %broadcast_in_dim3A_67 {strides = array<i32>} : memref<64x128xf32, #tpu.memory_space<vmem>>, vector<16xf32>,
      %broadcast_in_dim3A_71 = arith.constant 0.000000e+00 : f32
      %broadcast_in_dim3A_72 = vector.broadcast %broadcast_in_dim3A_71 : f32 to vector<16xf32>
      %swap3A_73 = arith.index_cast %scan3A_52 : i32 to index
      %swap3A_74 = arith.constant 64 : index
      %swap3A_75 = tpu.vector_load %arg12[%swap3A_73, %swap3A_74] {strides = array<i32>} : memref<64x128xf32, #tpu.memory_space<vmem>>, vector<16xf32>,
      tpu.vector_store %arg12[%swap3A_73, %swap3A_74], %broadcast_in_dim3A_72 {strides = array<i32>} : memref<64x128xf32, #tpu.memory_space<vmem>>, vector<16xf32>,
      %broadcast_in_dim3A_76 = arith.constant 0.000000e+00 : f32
      %broadcast_in_dim3A_77 = vector.broadcast %broadcast_in_dim3A_76 : f32 to vector<16xf32>
      %swap3A_78 = arith.index_cast %scan3A_52 : i32 to index
      %swap3A_79 = arith.constant 80 : index
      %swap3A_80 = tpu.vector_load %arg12[%swap3A_78, %swap3A_79] {strides = array<i32>} : memref<64x128xf32, #tpu.memory_space<vmem>>, vector<16xf32>,
      tpu.vector_store %arg12[%swap3A_78, %swap3A_79], %broadcast_in_dim3A_77 {strides = array<i32>} : memref<64x128xf32, #tpu.memory_space<vmem>>, vector<16xf32>,
      %broadcast_in_dim3A_81 = arith.constant 0.000000e+00 : f32
      %broadcast_in_dim3A_82 = vector.broadcast %broadcast_in_dim3A_81 : f32 to vector<16xf32>
      %swap3A_83 = arith.index_cast %scan3A_52 : i32 to index
      %swap3A_84 = arith.constant 96 : index
      %swap3A_85 = tpu.vector_load %arg12[%swap3A_83, %swap3A_84] {strides = array<i32>} : memref<64x128xf32, #tpu.memory_space<vmem>>, vector<16xf32>,
      tpu.vector_store %arg12[%swap3A_83, %swap3A_84], %broadcast_in_dim3A_82 {strides = array<i32>} : memref<64x128xf32, #tpu.memory_space<vmem>>, vector<16xf32>,
      %broadcast_in_dim3A_86 = arith.constant 0.000000e+00 : f32
      %broadcast_in_dim3A_87 = vector.broadcast %broadcast_in_dim3A_86 : f32 to vector<16xf32>
      %swap3A_88 = arith.index_cast %scan3A_52 : i32 to index
      %swap3A_89 = arith.constant 112 : index
      %swap3A_90 = tpu.vector_load %arg12[%swap3A_88, %swap3A_89] {strides = array<i32>} : memref<64x128xf32, #tpu.memory_space<vmem>>, vector<16xf32>,
      tpu.vector_store %arg12[%swap3A_88, %swap3A_89], %broadcast_in_dim3A_87 {strides = array<i32>} : memref<64x128xf32, #tpu.memory_space<vmem>>, vector<16xf32>,
    }
    %scan3A_11 = arith.constant 64 : i32
    %add3A_12 = arith.constant 0 : i32
    %add3A_13 = arith.addi %mul3A_2, %add3A_12 : i32
    "tpu.region"() ({
      %run_scoped3A = tpu.sem_alloc : memref<!tpu.dma_semaphore, #tpu.memory_space<semaphore_mem>>
      %dma_start3A = arith.constant 0 : i32
      %dma_start3A_52 = tpu.memref_slice %arg16[%add3A_13, %dma_start3A] : memref<10240x128xf32, #tpu.memory_space<vmem_shared>> -> memref<64x128xf32, #tpu.memory_space<vmem_shared>>
      %dma_start3A_53 = arith.constant 0 : i32
      %dma_start3A_54 = tpu.memref_slice %arg16[%add3A_13, %dma_start3A_53] : memref<10240x128xf32, #tpu.memory_space<vmem_shared>> -> memref<64x128xf32, #tpu.memory_space<vmem_shared>>
      tpu.enqueue_dma source(%arg12 : memref<64x128xf32, #tpu.memory_space<vmem>>) target(%dma_start3A_54 : memref<64x128xf32, #tpu.memory_space<vmem_shared>>) target_semaphore(%run_scoped3A : memref<!tpu.dma_semaphore, #tpu.memory_space<semaphore_mem>>)
      %dma_wait3A = arith.constant 0 : i32
      %dma_wait3A_55 = tpu.memref_slice %arg16[%add3A_13, %dma_wait3A] : memref<10240x128xf32, #tpu.memory_space<vmem_shared>> -> memref<64x128xf32, #tpu.memory_space<vmem_shared>>
      %dma_wait3A_56 = arith.constant 0 : i32
      %dma_wait3A_57 = tpu.memref_slice %arg16[%add3A_13, %dma_wait3A_56] : memref<10240x128xf32, #tpu.memory_space<vmem_shared>> -> memref<64x128xf32, #tpu.memory_space<vmem_shared>>
      tpu.wait_dma2 semaphore(%run_scoped3A : memref<!tpu.dma_semaphore, #tpu.memory_space<semaphore_mem>>) src(%arg12 : memref<64x128xf32, #tpu.memory_space<vmem>>) dst(%dma_wait3A_57 : memref<64x128xf32, #tpu.memory_space<vmem_shared>>)
      tpu.yield
    }) : () -> ()
    %add3A_14 = arith.constant 64 : i32
    %add3A_15 = arith.addi %mul3A_2, %add3A_14 : i32
    "tpu.region"() ({
      %run_scoped3A = tpu.sem_alloc : memref<!tpu.dma_semaphore, #tpu.memory_space<semaphore_mem>>
      %dma_start3A = arith.constant 0 : i32
      %dma_start3A_52 = tpu.memref_slice %arg16[%add3A_15, %dma_start3A] : memref<10240x128xf32, #tpu.memory_space<vmem_shared>> -> memref<64x128xf32, #tpu.memory_space<vmem_shared>>
      %dma_start3A_53 = arith.constant 0 : i32
      %dma_start3A_54 = tpu.memref_slice %arg16[%add3A_15, %dma_start3A_53] : memref<10240x128xf32, #tpu.memory_space<vmem_shared>> -> memref<64x128xf32, #tpu.memory_space<vmem_shared>>
      tpu.enqueue_dma source(%arg12 : memref<64x128xf32, #tpu.memory_space<vmem>>) target(%dma_start3A_54 : memref<64x128xf32, #tpu.memory_space<vmem_shared>>) target_semaphore(%run_scoped3A : memref<!tpu.dma_semaphore, #tpu.memory_space<semaphore_mem>>)
      %dma_wait3A = arith.constant 0 : i32
      %dma_wait3A_55 = tpu.memref_slice %arg16[%add3A_15, %dma_wait3A] : memref<10240x128xf32, #tpu.memory_space<vmem_shared>> -> memref<64x128xf32, #tpu.memory_space<vmem_shared>>
      %dma_wait3A_56 = arith.constant 0 : i32
      %dma_wait3A_57 = tpu.memref_slice %arg16[%add3A_15, %dma_wait3A_56] : memref<10240x128xf32, #tpu.memory_space<vmem_shared>> -> memref<64x128xf32, #tpu.memory_space<vmem_shared>>
      tpu.wait_dma2 semaphore(%run_scoped3A : memref<!tpu.dma_semaphore, #tpu.memory_space<semaphore_mem>>) src(%arg12 : memref<64x128xf32, #tpu.memory_space<vmem>>) dst(%dma_wait3A_57 : memref<64x128xf32, #tpu.memory_space<vmem_shared>>)
      tpu.yield
    }) : () -> ()
    %add3A_16 = arith.constant 128 : i32
    %add3A_17 = arith.addi %mul3A_2, %add3A_16 : i32
    "tpu.region"() ({
      %run_scoped3A = tpu.sem_alloc : memref<!tpu.dma_semaphore, #tpu.memory_space<semaphore_mem>>
      %dma_start3A = arith.constant 0 : i32
      %dma_start3A_52 = tpu.memref_slice %arg16[%add3A_17, %dma_start3A] : memref<10240x128xf32, #tpu.memory_space<vmem_shared>> -> memref<64x128xf32, #tpu.memory_space<vmem_shared>>
      %dma_start3A_53 = arith.constant 0 : i32
      %dma_start3A_54 = tpu.memref_slice %arg16[%add3A_17, %dma_start3A_53] : memref<10240x128xf32, #tpu.memory_space<vmem_shared>> -> memref<64x128xf32, #tpu.memory_space<vmem_shared>>
      tpu.enqueue_dma source(%arg12 : memref<64x128xf32, #tpu.memory_space<vmem>>) target(%dma_start3A_54 : memref<64x128xf32, #tpu.memory_space<vmem_shared>>) target_semaphore(%run_scoped3A : memref<!tpu.dma_semaphore, #tpu.memory_space<semaphore_mem>>)
      %dma_wait3A = arith.constant 0 : i32
      %dma_wait3A_55 = tpu.memref_slice %arg16[%add3A_17, %dma_wait3A] : memref<10240x128xf32, #tpu.memory_space<vmem_shared>> -> memref<64x128xf32, #tpu.memory_space<vmem_shared>>
      %dma_wait3A_56 = arith.constant 0 : i32
      %dma_wait3A_57 = tpu.memref_slice %arg16[%add3A_17, %dma_wait3A_56] : memref<10240x128xf32, #tpu.memory_space<vmem_shared>> -> memref<64x128xf32, #tpu.memory_space<vmem_shared>>
      tpu.wait_dma2 semaphore(%run_scoped3A : memref<!tpu.dma_semaphore, #tpu.memory_space<semaphore_mem>>) src(%arg12 : memref<64x128xf32, #tpu.memory_space<vmem>>) dst(%dma_wait3A_57 : memref<64x128xf32, #tpu.memory_space<vmem_shared>>)
      tpu.yield
    }) : () -> ()
    %add3A_18 = arith.constant 192 : i32
    %add3A_19 = arith.addi %mul3A_2, %add3A_18 : i32
    "tpu.region"() ({
      %run_scoped3A = tpu.sem_alloc : memref<!tpu.dma_semaphore, #tpu.memory_space<semaphore_mem>>
      %dma_start3A = arith.constant 0 : i32
      %dma_start3A_52 = tpu.memref_slice %arg16[%add3A_19, %dma_start3A] : memref<10240x128xf32, #tpu.memory_space<vmem_shared>> -> memref<64x128xf32, #tpu.memory_space<vmem_shared>>
      %dma_start3A_53 = arith.constant 0 : i32
      %dma_start3A_54 = tpu.memref_slice %arg16[%add3A_19, %dma_start3A_53] : memref<10240x128xf32, #tpu.memory_space<vmem_shared>> -> memref<64x128xf32, #tpu.memory_space<vmem_shared>>
      tpu.enqueue_dma source(%arg12 : memref<64x128xf32, #tpu.memory_space<vmem>>) target(%dma_start3A_54 : memref<64x128xf32, #tpu.memory_space<vmem_shared>>) target_semaphore(%run_scoped3A : memref<!tpu.dma_semaphore, #tpu.memory_space<semaphore_mem>>)
      %dma_wait3A = arith.constant 0 : i32
      %dma_wait3A_55 = tpu.memref_slice %arg16[%add3A_19, %dma_wait3A] : memref<10240x128xf32, #tpu.memory_space<vmem_shared>> -> memref<64x128xf32, #tpu.memory_space<vmem_shared>>
      %dma_wait3A_56 = arith.constant 0 : i32
      %dma_wait3A_57 = tpu.memref_slice %arg16[%add3A_19, %dma_wait3A_56] : memref<10240x128xf32, #tpu.memory_space<vmem_shared>> -> memref<64x128xf32, #tpu.memory_space<vmem_shared>>
      tpu.wait_dma2 semaphore(%run_scoped3A : memref<!tpu.dma_semaphore, #tpu.memory_space<semaphore_mem>>) src(%arg12 : memref<64x128xf32, #tpu.memory_space<vmem>>) dst(%dma_wait3A_57 : memref<64x128xf32, #tpu.memory_space<vmem_shared>>)
      tpu.yield
    }) : () -> ()
    %add3A_20 = arith.constant 256 : i32
    %add3A_21 = arith.addi %mul3A_2, %add3A_20 : i32
    "tpu.region"() ({
      %run_scoped3A = tpu.sem_alloc : memref<!tpu.dma_semaphore, #tpu.memory_space<semaphore_mem>>
      %dma_start3A = arith.constant 0 : i32
      %dma_start3A_52 = tpu.memref_slice %arg16[%add3A_21, %dma_start3A] : memref<10240x128xf32, #tpu.memory_space<vmem_shared>> -> memref<64x128xf32, #tpu.memory_space<vmem_shared>>
      %dma_start3A_53 = arith.constant 0 : i32
      %dma_start3A_54 = tpu.memref_slice %arg16[%add3A_21, %dma_start3A_53] : memref<10240x128xf32, #tpu.memory_space<vmem_shared>> -> memref<64x128xf32, #tpu.memory_space<vmem_shared>>
      tpu.enqueue_dma source(%arg12 : memref<64x128xf32, #tpu.memory_space<vmem>>) target(%dma_start3A_54 : memref<64x128xf32, #tpu.memory_space<vmem_shared>>) target_semaphore(%run_scoped3A : memref<!tpu.dma_semaphore, #tpu.memory_space<semaphore_mem>>)
      %dma_wait3A = arith.constant 0 : i32
      %dma_wait3A_55 = tpu.memref_slice %arg16[%add3A_21, %dma_wait3A] : memref<10240x128xf32, #tpu.memory_space<vmem_shared>> -> memref<64x128xf32, #tpu.memory_space<vmem_shared>>
      %dma_wait3A_56 = arith.constant 0 : i32
      %dma_wait3A_57 = tpu.memref_slice %arg16[%add3A_21, %dma_wait3A_56] : memref<10240x128xf32, #tpu.memory_space<vmem_shared>> -> memref<64x128xf32, #tpu.memory_space<vmem_shared>>
      tpu.wait_dma2 semaphore(%run_scoped3A : memref<!tpu.dma_semaphore, #tpu.memory_space<semaphore_mem>>) src(%arg12 : memref<64x128xf32, #tpu.memory_space<vmem>>) dst(%dma_wait3A_57 : memref<64x128xf32, #tpu.memory_space<vmem_shared>>)
      tpu.yield
    }) : () -> ()
    %add3A_22 = arith.constant 320 : i32
    %add3A_23 = arith.addi %mul3A_2, %add3A_22 : i32
    "tpu.region"() ({
      %run_scoped3A = tpu.sem_alloc : memref<!tpu.dma_semaphore, #tpu.memory_space<semaphore_mem>>
      %dma_start3A = arith.constant 0 : i32
      %dma_start3A_52 = tpu.memref_slice %arg16[%add3A_23, %dma_start3A] : memref<10240x128xf32, #tpu.memory_space<vmem_shared>> -> memref<64x128xf32, #tpu.memory_space<vmem_shared>>
      %dma_start3A_53 = arith.constant 0 : i32
      %dma_start3A_54 = tpu.memref_slice %arg16[%add3A_23, %dma_start3A_53] : memref<10240x128xf32, #tpu.memory_space<vmem_shared>> -> memref<64x128xf32, #tpu.memory_space<vmem_shared>>
      tpu.enqueue_dma source(%arg12 : memref<64x128xf32, #tpu.memory_space<vmem>>) target(%dma_start3A_54 : memref<64x128xf32, #tpu.memory_space<vmem_shared>>) target_semaphore(%run_scoped3A : memref<!tpu.dma_semaphore, #tpu.memory_space<semaphore_mem>>)
      %dma_wait3A = arith.constant 0 : i32
      %dma_wait3A_55 = tpu.memref_slice %arg16[%add3A_23, %dma_wait3A] : memref<10240x128xf32, #tpu.memory_space<vmem_shared>> -> memref<64x128xf32, #tpu.memory_space<vmem_shared>>
      %dma_wait3A_56 = arith.constant 0 : i32
      %dma_wait3A_57 = tpu.memref_slice %arg16[%add3A_23, %dma_wait3A_56] : memref<10240x128xf32, #tpu.memory_space<vmem_shared>> -> memref<64x128xf32, #tpu.memory_space<vmem_shared>>
      tpu.wait_dma2 semaphore(%run_scoped3A : memref<!tpu.dma_semaphore, #tpu.memory_space<semaphore_mem>>) src(%arg12 : memref<64x128xf32, #tpu.memory_space<vmem>>) dst(%dma_wait3A_57 : memref<64x128xf32, #tpu.memory_space<vmem_shared>>)
      tpu.yield
    }) : () -> ()
    %add3A_24 = arith.constant 384 : i32
    %add3A_25 = arith.addi %mul3A_2, %add3A_24 : i32
    "tpu.region"() ({
      %run_scoped3A = tpu.sem_alloc : memref<!tpu.dma_semaphore, #tpu.memory_space<semaphore_mem>>
      %dma_start3A = arith.constant 0 : i32
      %dma_start3A_52 = tpu.memref_slice %arg16[%add3A_25, %dma_start3A] : memref<10240x128xf32, #tpu.memory_space<vmem_shared>> -> memref<64x128xf32, #tpu.memory_space<vmem_shared>>
      %dma_start3A_53 = arith.constant 0 : i32
      %dma_start3A_54 = tpu.memref_slice %arg16[%add3A_25, %dma_start3A_53] : memref<10240x128xf32, #tpu.memory_space<vmem_shared>> -> memref<64x128xf32, #tpu.memory_space<vmem_shared>>
      tpu.enqueue_dma source(%arg12 : memref<64x128xf32, #tpu.memory_space<vmem>>) target(%dma_start3A_54 : memref<64x128xf32, #tpu.memory_space<vmem_shared>>) target_semaphore(%run_scoped3A : memref<!tpu.dma_semaphore, #tpu.memory_space<semaphore_mem>>)
      %dma_wait3A = arith.constant 0 : i32
      %dma_wait3A_55 = tpu.memref_slice %arg16[%add3A_25, %dma_wait3A] : memref<10240x128xf32, #tpu.memory_space<vmem_shared>> -> memref<64x128xf32, #tpu.memory_space<vmem_shared>>
      %dma_wait3A_56 = arith.constant 0 : i32
      %dma_wait3A_57 = tpu.memref_slice %arg16[%add3A_25, %dma_wait3A_56] : memref<10240x128xf32, #tpu.memory_space<vmem_shared>> -> memref<64x128xf32, #tpu.memory_space<vmem_shared>>
      tpu.wait_dma2 semaphore(%run_scoped3A : memref<!tpu.dma_semaphore, #tpu.memory_space<semaphore_mem>>) src(%arg12 : memref<64x128xf32, #tpu.memory_space<vmem>>) dst(%dma_wait3A_57 : memref<64x128xf32, #tpu.memory_space<vmem_shared>>)
      tpu.yield
    }) : () -> ()
    %add3A_26 = arith.constant 448 : i32
    %add3A_27 = arith.addi %mul3A_2, %add3A_26 : i32
    "tpu.region"() ({
      %run_scoped3A = tpu.sem_alloc : memref<!tpu.dma_semaphore, #tpu.memory_space<semaphore_mem>>
      %dma_start3A = arith.constant 0 : i32
      %dma_start3A_52 = tpu.memref_slice %arg16[%add3A_27, %dma_start3A] : memref<10240x128xf32, #tpu.memory_space<vmem_shared>> -> memref<64x128xf32, #tpu.memory_space<vmem_shared>>
      %dma_start3A_53 = arith.constant 0 : i32
      %dma_start3A_54 = tpu.memref_slice %arg16[%add3A_27, %dma_start3A_53] : memref<10240x128xf32, #tpu.memory_space<vmem_shared>> -> memref<64x128xf32, #tpu.memory_space<vmem_shared>>
      tpu.enqueue_dma source(%arg12 : memref<64x128xf32, #tpu.memory_space<vmem>>) target(%dma_start3A_54 : memref<64x128xf32, #tpu.memory_space<vmem_shared>>) target_semaphore(%run_scoped3A : memref<!tpu.dma_semaphore, #tpu.memory_space<semaphore_mem>>)
      %dma_wait3A = arith.constant 0 : i32
      %dma_wait3A_55 = tpu.memref_slice %arg16[%add3A_27, %dma_wait3A] : memref<10240x128xf32, #tpu.memory_space<vmem_shared>> -> memref<64x128xf32, #tpu.memory_space<vmem_shared>>
      %dma_wait3A_56 = arith.constant 0 : i32
      %dma_wait3A_57 = tpu.memref_slice %arg16[%add3A_27, %dma_wait3A_56] : memref<10240x128xf32, #tpu.memory_space<vmem_shared>> -> memref<64x128xf32, #tpu.memory_space<vmem_shared>>
      tpu.wait_dma2 semaphore(%run_scoped3A : memref<!tpu.dma_semaphore, #tpu.memory_space<semaphore_mem>>) src(%arg12 : memref<64x128xf32, #tpu.memory_space<vmem>>) dst(%dma_wait3A_57 : memref<64x128xf32, #tpu.memory_space<vmem_shared>>)
      tpu.yield
    }) : () -> ()
    %add3A_28 = arith.constant 512 : i32
    %add3A_29 = arith.addi %mul3A_2, %add3A_28 : i32
    "tpu.region"() ({
      %run_scoped3A = tpu.sem_alloc : memref<!tpu.dma_semaphore, #tpu.memory_space<semaphore_mem>>
      %dma_start3A = arith.constant 0 : i32
      %dma_start3A_52 = tpu.memref_slice %arg16[%add3A_29, %dma_start3A] : memref<10240x128xf32, #tpu.memory_space<vmem_shared>> -> memref<64x128xf32, #tpu.memory_space<vmem_shared>>
      %dma_start3A_53 = arith.constant 0 : i32
      %dma_start3A_54 = tpu.memref_slice %arg16[%add3A_29, %dma_start3A_53] : memref<10240x128xf32, #tpu.memory_space<vmem_shared>> -> memref<64x128xf32, #tpu.memory_space<vmem_shared>>
      tpu.enqueue_dma source(%arg12 : memref<64x128xf32, #tpu.memory_space<vmem>>) target(%dma_start3A_54 : memref<64x128xf32, #tpu.memory_space<vmem_shared>>) target_semaphore(%run_scoped3A : memref<!tpu.dma_semaphore, #tpu.memory_space<semaphore_mem>>)
      %dma_wait3A = arith.constant 0 : i32
      %dma_wait3A_55 = tpu.memref_slice %arg16[%add3A_29, %dma_wait3A] : memref<10240x128xf32, #tpu.memory_space<vmem_shared>> -> memref<64x128xf32, #tpu.memory_space<vmem_shared>>
      %dma_wait3A_56 = arith.constant 0 : i32
      %dma_wait3A_57 = tpu.memref_slice %arg16[%add3A_29, %dma_wait3A_56] : memref<10240x128xf32, #tpu.memory_space<vmem_shared>> -> memref<64x128xf32, #tpu.memory_space<vmem_shared>>
      tpu.wait_dma2 semaphore(%run_scoped3A : memref<!tpu.dma_semaphore, #tpu.memory_space<semaphore_mem>>) src(%arg12 : memref<64x128xf32, #tpu.memory_space<vmem>>) dst(%dma_wait3A_57 : memref<64x128xf32, #tpu.memory_space<vmem_shared>>)
      tpu.yield
    }) : () -> ()
    %add3A_30 = arith.constant 576 : i32
    %add3A_31 = arith.addi %mul3A_2, %add3A_30 : i32
    "tpu.region"() ({
      %run_scoped3A = tpu.sem_alloc : memref<!tpu.dma_semaphore, #tpu.memory_space<semaphore_mem>>
      %dma_start3A = arith.constant 0 : i32
      %dma_start3A_52 = tpu.memref_slice %arg16[%add3A_31, %dma_start3A] : memref<10240x128xf32, #tpu.memory_space<vmem_shared>> -> memref<64x128xf32, #tpu.memory_space<vmem_shared>>
      %dma_start3A_53 = arith.constant 0 : i32
      %dma_start3A_54 = tpu.memref_slice %arg16[%add3A_31, %dma_start3A_53] : memref<10240x128xf32, #tpu.memory_space<vmem_shared>> -> memref<64x128xf32, #tpu.memory_space<vmem_shared>>
      tpu.enqueue_dma source(%arg12 : memref<64x128xf32, #tpu.memory_space<vmem>>) target(%dma_start3A_54 : memref<64x128xf32, #tpu.memory_space<vmem_shared>>) target_semaphore(%run_scoped3A : memref<!tpu.dma_semaphore, #tpu.memory_space<semaphore_mem>>)
      %dma_wait3A = arith.constant 0 : i32
      %dma_wait3A_55 = tpu.memref_slice %arg16[%add3A_31, %dma_wait3A] : memref<10240x128xf32, #tpu.memory_space<vmem_shared>> -> memref<64x128xf32, #tpu.memory_space<vmem_shared>>
      %dma_wait3A_56 = arith.constant 0 : i32
      %dma_wait3A_57 = tpu.memref_slice %arg16[%add3A_31, %dma_wait3A_56] : memref<10240x128xf32, #tpu.memory_space<vmem_shared>> -> memref<64x128xf32, #tpu.memory_space<vmem_shared>>
      tpu.wait_dma2 semaphore(%run_scoped3A : memref<!tpu.dma_semaphore, #tpu.memory_space<semaphore_mem>>) src(%arg12 : memref<64x128xf32, #tpu.memory_space<vmem>>) dst(%dma_wait3A_57 : memref<64x128xf32, #tpu.memory_space<vmem_shared>>)
      tpu.yield
    }) : () -> ()
    %barrier3A = arith.constant 0 : index
    tpu.barrier barrier_id(%barrier3A)
    %scan3A_32 = arith.constant 0 : i32
    %scan3A_33 = arith.constant 8 : i32
    %scan3A_34 = arith.addi %scan3A_32, %scan3A_33 : i32
    %scan3A_35 = arith.constant 1 : i32
    scf.for %scan3A_52 = %scan3A_32 to %scan3A_34 step %scan3A_35  : i32 {
      %jit3A = arith.constant 4 : i32
      %div3A = arith.divsi %scan3A_52, %jit3A : i32
      %sign3A = arith.constant 0 : i32
      %sign3A_53 = arith.cmpi sgt, %scan3A_52, %sign3A : i32
      %sign3A_54 = arith.extui %sign3A_53 : i1 to i32
      %sign3A_55 = arith.constant 0 : i32
      %sign3A_56 = arith.cmpi slt, %scan3A_52, %sign3A_55 : i32
      %sign3A_57 = arith.extui %sign3A_56 : i1 to i32
      %sign3A_58 = arith.subi %sign3A_54, %sign3A_57 : i32
      %sign3A_59 = arith.constant 0 : i32
      %sign3A_60 = arith.cmpi sgt, %jit3A, %sign3A_59 : i32
      %sign3A_61 = arith.extui %sign3A_60 : i1 to i32
      %sign3A_62 = arith.constant 0 : i32
      %sign3A_63 = arith.cmpi slt, %jit3A, %sign3A_62 : i32
      %sign3A_64 = arith.extui %sign3A_63 : i1 to i32
      %sign3A_65 = arith.subi %sign3A_61, %sign3A_64 : i32
      %ne3A = arith.cmpi ne, %sign3A_58, %sign3A_65 : i32
      %rem3A = arith.remsi %scan3A_52, %jit3A : i32
      %ne3A_66 = arith.constant 0 : i32
      %ne3A_67 = arith.cmpi ne, %rem3A, %ne3A_66 : i32
      %and3A = arith.andi %ne3A, %ne3A_67 : i1
      %sub3A = arith.constant 1 : i32
      %sub3A_68 = arith.subi %div3A, %sub3A : i32
      %select_n3A = arith.select %and3A, %sub3A_68, %div3A : i32
      %mul3A_69 = arith.constant 16 : i32
      %mul3A_70 = arith.muli %select_n3A, %mul3A_69 : i32
      %add3A_71 = arith.addi %arg1, %mul3A_70 : i32
      %jit3A_72 = arith.constant 4 : i32
      %eq3A_73 = arith.constant 0 : i32
      %eq3A_74 = arith.cmpi eq, %jit3A_72, %eq3A_73 : i32
      %jit3A_75 = arith.constant 1 : i32
      %select_n3A_76 = arith.select %eq3A_74, %jit3A_75, %jit3A_72 : i32
      %rem3A_77 = arith.remsi %scan3A_52, %select_n3A_76 : i32
      %ne3A_78 = arith.constant 0 : i32
      %ne3A_79 = arith.cmpi ne, %rem3A_77, %ne3A_78 : i32
      %lt3A = arith.constant 0 : i32
      %lt3A_80 = arith.cmpi slt, %rem3A_77, %lt3A : i32
      %lt3A_81 = arith.constant 0 : i32
      %lt3A_82 = arith.cmpi slt, %select_n3A_76, %lt3A_81 : i32
      %ne3A_83 = arith.xori %lt3A_80, %lt3A_82 : i1
      %and3A_84 = arith.andi %ne3A_83, %ne3A_79 : i1
      %add3A_85 = arith.addi %rem3A_77, %select_n3A_76 : i32
      %select_n3A_86 = arith.select %and3A_84, %add3A_85, %rem3A_77 : i32
      %mul3A_87 = arith.constant 40 : i32
      %mul3A_88 = arith.muli %select_n3A_86, %mul3A_87 : i32
      "tpu.region"() ({
        %run_scoped3A = tpu.sem_alloc : memref<!tpu.dma_semaphore, #tpu.memory_space<semaphore_mem>>
        %dma_start3A = arith.constant 0 : i32
        %dma_start3A_96 = tpu.memref_slice %arg4[%add3A_71, %mul3A_88, %dma_start3A] : memref<32x160x64xi32, #tpu.memory_space<hbm>> -> memref<1x40x64xi32, #tpu.memory_space<hbm>>
        %dma_start3A_97 = tpu.memref_squeeze %dma_start3A_96 : memref<1x40x64xi32, #tpu.memory_space<hbm>> -> memref<40x64xi32, #tpu.memory_space<hbm>>
        %dma_start3A_98 = arith.constant 0 : i32
        %dma_start3A_99 = tpu.memref_slice %arg4[%add3A_71, %mul3A_88, %dma_start3A_98] : memref<32x160x64xi32, #tpu.memory_space<hbm>> -> memref<1x40x64xi32, #tpu.memory_space<hbm>>
        %dma_start3A_100 = tpu.memref_squeeze %dma_start3A_99 : memref<1x40x64xi32, #tpu.memory_space<hbm>> -> memref<40x64xi32, #tpu.memory_space<hbm>>
        tpu.enqueue_dma source(%dma_start3A_100 : memref<40x64xi32, #tpu.memory_space<hbm>>) target(%arg9 : memref<40x64xi32, #tpu.memory_space<vmem>>) target_semaphore(%run_scoped3A : memref<!tpu.dma_semaphore, #tpu.memory_space<semaphore_mem>>)
        %dma_wait3A = arith.constant 0 : i32
        %dma_wait3A_101 = tpu.memref_slice %arg4[%add3A_71, %mul3A_88, %dma_wait3A] : memref<32x160x64xi32, #tpu.memory_space<hbm>> -> memref<1x40x64xi32, #tpu.memory_space<hbm>>
        %dma_wait3A_102 = tpu.memref_squeeze %dma_wait3A_101 : memref<1x40x64xi32, #tpu.memory_space<hbm>> -> memref<40x64xi32, #tpu.memory_space<hbm>>
        %dma_wait3A_103 = arith.constant 0 : i32
        %dma_wait3A_104 = tpu.memref_slice %arg4[%add3A_71, %mul3A_88, %dma_wait3A_103] : memref<32x160x64xi32, #tpu.memory_space<hbm>> -> memref<1x40x64xi32, #tpu.memory_space<hbm>>
        %dma_wait3A_105 = tpu.memref_squeeze %dma_wait3A_104 : memref<1x40x64xi32, #tpu.memory_space<hbm>> -> memref<40x64xi32, #tpu.memory_space<hbm>>
        tpu.wait_dma2 semaphore(%run_scoped3A : memref<!tpu.dma_semaphore, #tpu.memory_space<semaphore_mem>>) src(%dma_wait3A_105 : memref<40x64xi32, #tpu.memory_space<hbm>>) dst(%arg9 : memref<40x64xi32, #tpu.memory_space<vmem>>)
        tpu.yield
      }) : () -> ()
      %mul3A_89 = arith.constant 40 : i32
      %mul3A_90 = arith.muli %select_n3A_86, %mul3A_89 : i32
      "tpu.region"() ({
        %run_scoped3A = tpu.sem_alloc : memref<!tpu.dma_semaphore, #tpu.memory_space<semaphore_mem>>
        %dma_start3A = arith.constant 0 : i32
        %dma_start3A_96 = tpu.memref_slice %arg5[%add3A_71, %mul3A_90, %dma_start3A] : memref<32x160x64xf32, #tpu.memory_space<hbm>> -> memref<1x40x64xf32, #tpu.memory_space<hbm>>
        %dma_start3A_97 = tpu.memref_squeeze %dma_start3A_96 : memref<1x40x64xf32, #tpu.memory_space<hbm>> -> memref<40x64xf32, #tpu.memory_space<hbm>>
        %dma_start3A_98 = arith.constant 0 : i32
        %dma_start3A_99 = tpu.memref_slice %arg5[%add3A_71, %mul3A_90, %dma_start3A_98] : memref<32x160x64xf32, #tpu.memory_space<hbm>> -> memref<1x40x64xf32, #tpu.memory_space<hbm>>
        %dma_start3A_100 = tpu.memref_squeeze %dma_start3A_99 : memref<1x40x64xf32, #tpu.memory_space<hbm>> -> memref<40x64xf32, #tpu.memory_space<hbm>>
        tpu.enqueue_dma source(%dma_start3A_100 : memref<40x64xf32, #tpu.memory_space<hbm>>) target(%arg10 : memref<40x64xf32, #tpu.memory_space<vmem>>) target_semaphore(%run_scoped3A : memref<!tpu.dma_semaphore, #tpu.memory_space<semaphore_mem>>)
        %dma_wait3A = arith.constant 0 : i32
        %dma_wait3A_101 = tpu.memref_slice %arg5[%add3A_71, %mul3A_90, %dma_wait3A] : memref<32x160x64xf32, #tpu.memory_space<hbm>> -> memref<1x40x64xf32, #tpu.memory_space<hbm>>
        %dma_wait3A_102 = tpu.memref_squeeze %dma_wait3A_101 : memref<1x40x64xf32, #tpu.memory_space<hbm>> -> memref<40x64xf32, #tpu.memory_space<hbm>>
        %dma_wait3A_103 = arith.constant 0 : i32
        %dma_wait3A_104 = tpu.memref_slice %arg5[%add3A_71, %mul3A_90, %dma_wait3A_103] : memref<32x160x64xf32, #tpu.memory_space<hbm>> -> memref<1x40x64xf32, #tpu.memory_space<hbm>>
        %dma_wait3A_105 = tpu.memref_squeeze %dma_wait3A_104 : memref<1x40x64xf32, #tpu.memory_space<hbm>> -> memref<40x64xf32, #tpu.memory_space<hbm>>
        tpu.wait_dma2 semaphore(%run_scoped3A : memref<!tpu.dma_semaphore, #tpu.memory_space<semaphore_mem>>) src(%dma_wait3A_105 : memref<40x64xf32, #tpu.memory_space<hbm>>) dst(%arg10 : memref<40x64xf32, #tpu.memory_space<vmem>>)
        tpu.yield
      }) : () -> ()
      %scan3A_91 = arith.constant 0 : i32
      %scan3A_92 = arith.constant 40 : i32
      %scan3A_93 = arith.addi %scan3A_91, %scan3A_92 : i32
      %scan3A_94 = arith.constant 1 : i32
      scf.for %scan3A_96 = %scan3A_91 to %scan3A_93 step %scan3A_94  : i32 {
        "tpu.region"() ({
          %run_scoped3A = tpu.sem_alloc : memref<!tpu.dma_semaphore, #tpu.memory_space<semaphore_mem>>
          %dma_start3A = arith.constant 0 : i32
          %dma_start3A_97 = tpu.memref_slice %arg10[%scan3A_96, %dma_start3A] : memref<40x64xf32, #tpu.memory_space<vmem>> -> memref<1x64xf32, #tpu.memory_space<vmem>>
          %dma_start3A_98 = tpu.memref_squeeze %dma_start3A_97 : memref<1x64xf32, #tpu.memory_space<vmem>> -> memref<64xf32, #tpu.memory_space<vmem>>
          %dma_start3A_99 = arith.constant 0 : i32
          %dma_start3A_100 = tpu.memref_slice %arg9[%scan3A_96, %dma_start3A_99] : memref<40x64xi32, #tpu.memory_space<vmem>> -> memref<1x64xi32, #tpu.memory_space<vmem>>
          %dma_start3A_101 = tpu.memref_squeeze %dma_start3A_100 : memref<1x64xi32, #tpu.memory_space<vmem>> -> memref<64xi32, #tpu.memory_space<vmem>>
          %dma_start3A_102 = arith.constant 0 : i32
          %dma_start3A_103 = tpu.memref_slice %arg17[%dma_start3A_102] : memref<10240xf32, #tpu.memory_space<vmem_shared>> -> memref<10240xf32, #tpu.memory_space<vmem_shared>>
          tpu.enqueue_indirect_dma source(%dma_start3A_98 : memref<64xf32, #tpu.memory_space<vmem>>) target(%dma_start3A_103 : memref<10240xf32, #tpu.memory_space<vmem_shared>>) offsets(%dma_start3A_101 : memref<64xi32, #tpu.memory_space<vmem>>) semaphore(%run_scoped3A : memref<!tpu.dma_semaphore, #tpu.memory_space<semaphore_mem>>) {add = true}
          %dma_wait3A = arith.constant 0 : i32
          %dma_wait3A_104 = tpu.memref_slice %arg10[%scan3A_96, %dma_wait3A] : memref<40x64xf32, #tpu.memory_space<vmem>> -> memref<1x64xf32, #tpu.memory_space<vmem>>
          %dma_wait3A_105 = tpu.memref_squeeze %dma_wait3A_104 : memref<1x64xf32, #tpu.memory_space<vmem>> -> memref<64xf32, #tpu.memory_space<vmem>>
          %dma_wait3A_106 = arith.constant 0 : i32
          %dma_wait3A_107 = tpu.memref_slice %arg9[%scan3A_96, %dma_wait3A_106] : memref<40x64xi32, #tpu.memory_space<vmem>> -> memref<1x64xi32, #tpu.memory_space<vmem>>
          %dma_wait3A_108 = tpu.memref_squeeze %dma_wait3A_107 : memref<1x64xi32, #tpu.memory_space<vmem>> -> memref<64xi32, #tpu.memory_space<vmem>>
          %dma_wait3A_109 = arith.constant 0 : i32
          %dma_wait3A_110 = tpu.memref_slice %arg17[%dma_wait3A_109] : memref<10240xf32, #tpu.memory_space<vmem_shared>> -> memref<10240xf32, #tpu.memory_space<vmem_shared>>
          tpu.wait_indirect_dma semaphore(%run_scoped3A : memref<!tpu.dma_semaphore, #tpu.memory_space<semaphore_mem>>) src(%dma_wait3A_105 : memref<64xf32, #tpu.memory_space<vmem>>) dst(%dma_wait3A_110 : memref<10240xf32, #tpu.memory_space<vmem_shared>>)
          tpu.yield
        }) : () -> ()
      }
      %scan3A_95 = arith.constant 40 : i32
    }
    %scan3A_36 = arith.constant 8 : i32
    %barrier3A_37 = arith.constant 0 : index
    tpu.barrier barrier_id(%barrier3A_37)
    "tpu.region"() ({
      %run_scoped3A = tpu.sem_alloc : memref<!tpu.dma_semaphore, #tpu.memory_space<semaphore_mem>>
      %dma_start3A = tpu.memref_slice %arg17[%mul3A_2] : memref<10240xf32, #tpu.memory_space<vmem_shared>> -> memref<640xf32, #tpu.memory_space<vmem_shared>>
      %dma_start3A_52 = tpu.memref_slice %arg17[%mul3A_2] : memref<10240xf32, #tpu.memory_space<vmem_shared>> -> memref<640xf32, #tpu.memory_space<vmem_shared>>
      tpu.enqueue_dma source(%dma_start3A_52 : memref<640xf32, #tpu.memory_space<vmem_shared>>) target(%arg15 : memref<640xf32, #tpu.memory_space<vmem>>) target_semaphore(%run_scoped3A : memref<!tpu.dma_semaphore, #tpu.memory_space<semaphore_mem>>)
      %dma_wait3A = tpu.memref_slice %arg17[%mul3A_2] : memref<10240xf32, #tpu.memory_space<vmem_shared>> -> memref<640xf32, #tpu.memory_space<vmem_shared>>
      %dma_wait3A_53 = tpu.memref_slice %arg17[%mul3A_2] : memref<10240xf32, #tpu.memory_space<vmem_shared>> -> memref<640xf32, #tpu.memory_space<vmem_shared>>
      tpu.wait_dma2 semaphore(%run_scoped3A : memref<!tpu.dma_semaphore, #tpu.memory_space<semaphore_mem>>) src(%dma_wait3A_53 : memref<640xf32, #tpu.memory_space<vmem_shared>>) dst(%arg15 : memref<640xf32, #tpu.memory_space<vmem>>)
      tpu.yield
    }) : () -> ()
    %scan3A_38 = arith.constant 0 : i32
    %scan3A_39 = arith.constant 40 : i32
    %scan3A_40 = arith.addi %scan3A_38, %scan3A_39 : i32
    %scan3A_41 = arith.constant 1 : i32
    scf.for %scan3A_52 = %scan3A_38 to %scan3A_40 step %scan3A_41  : i32 {
      %mul3A_53 = arith.constant 16 : i32
      %mul3A_54 = arith.muli %scan3A_52, %mul3A_53 : i32
      %get3A = arith.index_cast %mul3A_54 : i32 to index
      %get3A_55 = tpu.vector_load %arg15[%get3A] {strides = array<i32>} : memref<640xf32, #tpu.memory_space<vmem>>, vector<16xf32>,
      %broadcast_in_dim3A = arith.constant 1.000000e+00 : f32
      %broadcast_in_dim3A_56 = vector.broadcast %broadcast_in_dim3A : f32 to vector<16xf32>
      %ge3A = arith.constant 2.000000e+00 : f32
      %ge3A_57 = vector.broadcast %ge3A : f32 to vector<16xf32>
      %ge3A_58 = arith.cmpf oge, %get3A_55, %ge3A_57 : vector<16xf32>
      %jit3A = arith.constant 5.000000e-01 : f32
      %broadcast_in_dim3A_59 = vector.broadcast %jit3A : f32 to vector<16xf32>
      %select_n3A = arith.select %ge3A_58, %broadcast_in_dim3A_59, %broadcast_in_dim3A_56 : vector<16xi1>, vector<16xf32>
      %ge3A_60 = arith.constant 4.000000e+00 : f32
      %ge3A_61 = vector.broadcast %ge3A_60 : f32 to vector<16xf32>
      %ge3A_62 = arith.cmpf oge, %get3A_55, %ge3A_61 : vector<16xf32>
      %jit3A_63 = arith.constant 0.353553385 : f32
      %broadcast_in_dim3A_64 = vector.broadcast %jit3A_63 : f32 to vector<16xf32>
      %select_n3A_65 = arith.select %ge3A_62, %broadcast_in_dim3A_64, %select_n3A : vector<16xi1>, vector<16xf32>
      %ge3A_66 = arith.constant 8.000000e+00 : f32
      %ge3A_67 = vector.broadcast %ge3A_66 : f32 to vector<16xf32>
      %ge3A_68 = arith.cmpf oge, %get3A_55, %ge3A_67 : vector<16xf32>
      %jit3A_69 = arith.constant 2.500000e-01 : f32
      %broadcast_in_dim3A_70 = vector.broadcast %jit3A_69 : f32 to vector<16xf32>
      %select_n3A_71 = arith.select %ge3A_68, %broadcast_in_dim3A_70, %select_n3A_65 : vector<16xi1>, vector<16xf32>
      %ge3A_72 = arith.constant 1.600000e+01 : f32
      %ge3A_73 = vector.broadcast %ge3A_72 : f32 to vector<16xf32>
      %ge3A_74 = arith.cmpf oge, %get3A_55, %ge3A_73 : vector<16xf32>
      %jit3A_75 = arith.constant 0.176776692 : f32
      %broadcast_in_dim3A_76 = vector.broadcast %jit3A_75 : f32 to vector<16xf32>
      %select_n3A_77 = arith.select %ge3A_74, %broadcast_in_dim3A_76, %select_n3A_71 : vector<16xi1>, vector<16xf32>
      %ge3A_78 = arith.constant 3.200000e+01 : f32
      %ge3A_79 = vector.broadcast %ge3A_78 : f32 to vector<16xf32>
      %ge3A_80 = arith.cmpf oge, %get3A_55, %ge3A_79 : vector<16xf32>
      %jit3A_81 = arith.constant 1.250000e-01 : f32
      %broadcast_in_dim3A_82 = vector.broadcast %jit3A_81 : f32 to vector<16xf32>
      %select_n3A_83 = arith.select %ge3A_80, %broadcast_in_dim3A_82, %select_n3A_77 : vector<16xi1>, vector<16xf32>
      %ge3A_84 = arith.constant 6.400000e+01 : f32
      %ge3A_85 = vector.broadcast %ge3A_84 : f32 to vector<16xf32>
      %ge3A_86 = arith.cmpf oge, %get3A_55, %ge3A_85 : vector<16xf32>
      %jit3A_87 = arith.constant 0.0883883461 : f32
      %broadcast_in_dim3A_88 = vector.broadcast %jit3A_87 : f32 to vector<16xf32>
      %select_n3A_89 = arith.select %ge3A_86, %broadcast_in_dim3A_88, %select_n3A_83 : vector<16xi1>, vector<16xf32>
      %ge3A_90 = arith.constant 1.280000e+02 : f32
      %ge3A_91 = vector.broadcast %ge3A_90 : f32 to vector<16xf32>
      %ge3A_92 = arith.cmpf oge, %get3A_55, %ge3A_91 : vector<16xf32>
      %jit3A_93 = arith.constant 6.250000e-02 : f32
      %broadcast_in_dim3A_94 = vector.broadcast %jit3A_93 : f32 to vector<16xf32>
      %select_n3A_95 = arith.select %ge3A_92, %broadcast_in_dim3A_94, %select_n3A_89 : vector<16xi1>, vector<16xf32>
      %ge3A_96 = arith.constant 2.560000e+02 : f32
      %ge3A_97 = vector.broadcast %ge3A_96 : f32 to vector<16xf32>
      %ge3A_98 = arith.cmpf oge, %get3A_55, %ge3A_97 : vector<16xf32>
      %jit3A_99 = arith.constant 0.0441941731 : f32
      %broadcast_in_dim3A_100 = vector.broadcast %jit3A_99 : f32 to vector<16xf32>
      %select_n3A_101 = arith.select %ge3A_98, %broadcast_in_dim3A_100, %select_n3A_95 : vector<16xi1>, vector<16xf32>
      %ge3A_102 = arith.constant 5.120000e+02 : f32
      %ge3A_103 = vector.broadcast %ge3A_102 : f32 to vector<16xf32>
      %ge3A_104 = arith.cmpf oge, %get3A_55, %ge3A_103 : vector<16xf32>
      %jit3A_105 = arith.constant 3.125000e-02 : f32
      %broadcast_in_dim3A_106 = vector.broadcast %jit3A_105 : f32 to vector<16xf32>
      %select_n3A_107 = arith.select %ge3A_104, %broadcast_in_dim3A_106, %select_n3A_101 : vector<16xi1>, vector<16xf32>
      %ge3A_108 = arith.constant 1.024000e+03 : f32
      %ge3A_109 = vector.broadcast %ge3A_108 : f32 to vector<16xf32>
      %ge3A_110 = arith.cmpf oge, %get3A_55, %ge3A_109 : vector<16xf32>
      %jit3A_111 = arith.constant 0.0220970865 : f32
      %broadcast_in_dim3A_112 = vector.broadcast %jit3A_111 : f32 to vector<16xf32>
      %select_n3A_113 = arith.select %ge3A_110, %broadcast_in_dim3A_112, %select_n3A_107 : vector<16xi1>, vector<16xf32>
      %ge3A_114 = arith.constant 2.048000e+03 : f32
      %ge3A_115 = vector.broadcast %ge3A_114 : f32 to vector<16xf32>
      %ge3A_116 = arith.cmpf oge, %get3A_55, %ge3A_115 : vector<16xf32>
      %jit3A_117 = arith.constant 1.562500e-02 : f32
      %broadcast_in_dim3A_118 = vector.broadcast %jit3A_117 : f32 to vector<16xf32>
      %select_n3A_119 = arith.select %ge3A_116, %broadcast_in_dim3A_118, %select_n3A_113 : vector<16xi1>, vector<16xf32>
      %ge3A_120 = arith.constant 4.096000e+03 : f32
      %ge3A_121 = vector.broadcast %ge3A_120 : f32 to vector<16xf32>
      %ge3A_122 = arith.cmpf oge, %get3A_55, %ge3A_121 : vector<16xf32>
      %jit3A_123 = arith.constant 0.0110485433 : f32
      %broadcast_in_dim3A_124 = vector.broadcast %jit3A_123 : f32 to vector<16xf32>
      %select_n3A_125 = arith.select %ge3A_122, %broadcast_in_dim3A_124, %select_n3A_119 : vector<16xi1>, vector<16xf32>
      %ge3A_126 = arith.constant 8.192000e+03 : f32
      %ge3A_127 = vector.broadcast %ge3A_126 : f32 to vector<16xf32>
      %ge3A_128 = arith.cmpf oge, %get3A_55, %ge3A_127 : vector<16xf32>
      %jit3A_129 = arith.constant 7.812500e-03 : f32
      %broadcast_in_dim3A_130 = vector.broadcast %jit3A_129 : f32 to vector<16xf32>
      %select_n3A_131 = arith.select %ge3A_128, %broadcast_in_dim3A_130, %select_n3A_125 : vector<16xi1>, vector<16xf32>
      %ge3A_132 = arith.constant 1.638400e+04 : f32
      %ge3A_133 = vector.broadcast %ge3A_132 : f32 to vector<16xf32>
      %ge3A_134 = arith.cmpf oge, %get3A_55, %ge3A_133 : vector<16xf32>
      %jit3A_135 = arith.constant 0.00552427163 : f32
      %broadcast_in_dim3A_136 = vector.broadcast %jit3A_135 : f32 to vector<16xf32>
      %select_n3A_137 = arith.select %ge3A_134, %broadcast_in_dim3A_136, %select_n3A_131 : vector<16xi1>, vector<16xf32>
      %ge3A_138 = arith.constant 3.276800e+04 : f32
      %ge3A_139 = vector.broadcast %ge3A_138 : f32 to vector<16xf32>
      %ge3A_140 = arith.cmpf oge, %get3A_55, %ge3A_139 : vector<16xf32>
      %jit3A_141 = arith.constant 3.906250e-03 : f32
      %broadcast_in_dim3A_142 = vector.broadcast %jit3A_141 : f32 to vector<16xf32>
      %select_n3A_143 = arith.select %ge3A_140, %broadcast_in_dim3A_142, %select_n3A_137 : vector<16xi1>, vector<16xf32>
      %ge3A_144 = arith.constant 6.553600e+04 : f32
      %ge3A_145 = vector.broadcast %ge3A_144 : f32 to vector<16xf32>
      %ge3A_146 = arith.cmpf oge, %get3A_55, %ge3A_145 : vector<16xf32>
      %jit3A_147 = arith.constant 0.00276213582 : f32
      %broadcast_in_dim3A_148 = vector.broadcast %jit3A_147 : f32 to vector<16xf32>
      %select_n3A_149 = arith.select %ge3A_146, %broadcast_in_dim3A_148, %select_n3A_143 : vector<16xi1>, vector<16xf32>
      %ge3A_150 = arith.constant 1.310720e+05 : f32
      %ge3A_151 = vector.broadcast %ge3A_150 : f32 to vector<16xf32>
      %ge3A_152 = arith.cmpf oge, %get3A_55, %ge3A_151 : vector<16xf32>
      %jit3A_153 = arith.constant 0.001953125 : f32
      %broadcast_in_dim3A_154 = vector.broadcast %jit3A_153 : f32 to vector<16xf32>
      %select_n3A_155 = arith.select %ge3A_152, %broadcast_in_dim3A_154, %select_n3A_149 : vector<16xi1>, vector<16xf32>
      %ge3A_156 = arith.constant 2.621440e+05 : f32
      %ge3A_157 = vector.broadcast %ge3A_156 : f32 to vector<16xf32>
      %ge3A_158 = arith.cmpf oge, %get3A_55, %ge3A_157 : vector<16xf32>
      %jit3A_159 = arith.constant 0.00138106791 : f32
      %broadcast_in_dim3A_160 = vector.broadcast %jit3A_159 : f32 to vector<16xf32>
      %select_n3A_161 = arith.select %ge3A_158, %broadcast_in_dim3A_160, %select_n3A_155 : vector<16xi1>, vector<16xf32>
      %ge3A_162 = arith.constant 5.242880e+05 : f32
      %ge3A_163 = vector.broadcast %ge3A_162 : f32 to vector<16xf32>
      %ge3A_164 = arith.cmpf oge, %get3A_55, %ge3A_163 : vector<16xf32>
      %jit3A_165 = arith.constant 9.765625E-4 : f32
      %broadcast_in_dim3A_166 = vector.broadcast %jit3A_165 : f32 to vector<16xf32>
      %select_n3A_167 = arith.select %ge3A_164, %broadcast_in_dim3A_166, %select_n3A_161 : vector<16xi1>, vector<16xf32>
      %ge3A_168 = arith.constant 0x49800000 : f32
      %ge3A_169 = vector.broadcast %ge3A_168 : f32 to vector<16xf32>
      %ge3A_170 = arith.cmpf oge, %get3A_55, %ge3A_169 : vector<16xf32>
      %jit3A_171 = arith.constant 6.90533954E-4 : f32
      %broadcast_in_dim3A_172 = vector.broadcast %jit3A_171 : f32 to vector<16xf32>
      %select_n3A_173 = arith.select %ge3A_170, %broadcast_in_dim3A_172, %select_n3A_167 : vector<16xi1>, vector<16xf32>
      %mul3A_174 = arith.constant 5.000000e-01 : f32
      %mul3A_175 = vector.broadcast %mul3A_174 : f32 to vector<16xf32>
      %mul3A_176 = arith.mulf %mul3A_175, %get3A_55 : vector<16xf32>
      %mul3A_177 = arith.mulf %mul3A_176, %select_n3A_173 : vector<16xf32>
      %mul3A_178 = arith.mulf %mul3A_177, %select_n3A_173 : vector<16xf32>
      %sub3A = arith.constant 1.500000e+00 : f32
      %sub3A_179 = vector.broadcast %sub3A : f32 to vector<16xf32>
      %sub3A_180 = arith.subf %sub3A_179, %mul3A_178 : vector<16xf32>
      %mul3A_181 = arith.mulf %select_n3A_173, %sub3A_180 : vector<16xf32>
      %mul3A_182 = arith.constant 5.000000e-01 : f32
      %mul3A_183 = vector.broadcast %mul3A_182 : f32 to vector<16xf32>
      %mul3A_184 = arith.mulf %mul3A_183, %get3A_55 : vector<16xf32>
      %mul3A_185 = arith.mulf %mul3A_184, %mul3A_181 : vector<16xf32>
      %mul3A_186 = arith.mulf %mul3A_185, %mul3A_181 : vector<16xf32>
      %sub3A_187 = arith.constant 1.500000e+00 : f32
      %sub3A_188 = vector.broadcast %sub3A_187 : f32 to vector<16xf32>
      %sub3A_189 = arith.subf %sub3A_188, %mul3A_186 : vector<16xf32>
      %mul3A_190 = arith.mulf %mul3A_181, %sub3A_189 : vector<16xf32>
      %mul3A_191 = arith.constant 5.000000e-01 : f32
      %mul3A_192 = vector.broadcast %mul3A_191 : f32 to vector<16xf32>
      %mul3A_193 = arith.mulf %mul3A_192, %get3A_55 : vector<16xf32>
      %mul3A_194 = arith.mulf %mul3A_193, %mul3A_190 : vector<16xf32>
      %mul3A_195 = arith.mulf %mul3A_194, %mul3A_190 : vector<16xf32>
      %sub3A_196 = arith.constant 1.500000e+00 : f32
      %sub3A_197 = vector.broadcast %sub3A_196 : f32 to vector<16xf32>
      %sub3A_198 = arith.subf %sub3A_197, %mul3A_195 : vector<16xf32>
      %mul3A_199 = arith.mulf %mul3A_190, %sub3A_198 : vector<16xf32>
      %mul3A_200 = arith.constant 5.000000e-01 : f32
      %mul3A_201 = vector.broadcast %mul3A_200 : f32 to vector<16xf32>
      %mul3A_202 = arith.mulf %mul3A_201, %get3A_55 : vector<16xf32>
      %mul3A_203 = arith.mulf %mul3A_202, %mul3A_199 : vector<16xf32>
      %mul3A_204 = arith.mulf %mul3A_203, %mul3A_199 : vector<16xf32>
      %sub3A_205 = arith.constant 1.500000e+00 : f32
      %sub3A_206 = vector.broadcast %sub3A_205 : f32 to vector<16xf32>
      %sub3A_207 = arith.subf %sub3A_206, %mul3A_204 : vector<16xf32>
      %mul3A_208 = arith.mulf %mul3A_199, %sub3A_207 : vector<16xf32>
      %mul3A_209 = arith.constant 5.000000e-01 : f32
      %mul3A_210 = vector.broadcast %mul3A_209 : f32 to vector<16xf32>
      %mul3A_211 = arith.mulf %mul3A_210, %get3A_55 : vector<16xf32>
      %mul3A_212 = arith.mulf %mul3A_211, %mul3A_208 : vector<16xf32>
      %mul3A_213 = arith.mulf %mul3A_212, %mul3A_208 : vector<16xf32>
      %sub3A_214 = arith.constant 1.500000e+00 : f32
      %sub3A_215 = vector.broadcast %sub3A_214 : f32 to vector<16xf32>
      %sub3A_216 = arith.subf %sub3A_215, %mul3A_213 : vector<16xf32>
      %mul3A_217 = arith.mulf %mul3A_208, %sub3A_216 : vector<16xf32>
      %swap3A = arith.index_cast %mul3A_54 : i32 to index
      %swap3A_218 = tpu.vector_load %arg15[%swap3A] {strides = array<i32>} : memref<640xf32, #tpu.memory_space<vmem>>, vector<16xf32>,
      tpu.vector_store %arg15[%swap3A], %mul3A_217 {strides = array<i32>} : memref<640xf32, #tpu.memory_space<vmem>>, vector<16xf32>,
    }
    %scan3A_42 = arith.constant 40 : i32
    "tpu.region"() ({
      %run_scoped3A = tpu.sem_alloc : memref<!tpu.dma_semaphore, #tpu.memory_space<semaphore_mem>>
      %dma_start3A = tpu.memref_slice %arg17[%mul3A_2] : memref<10240xf32, #tpu.memory_space<vmem_shared>> -> memref<640xf32, #tpu.memory_space<vmem_shared>>
      %dma_start3A_52 = tpu.memref_slice %arg17[%mul3A_2] : memref<10240xf32, #tpu.memory_space<vmem_shared>> -> memref<640xf32, #tpu.memory_space<vmem_shared>>
      tpu.enqueue_dma source(%arg15 : memref<640xf32, #tpu.memory_space<vmem>>) target(%dma_start3A_52 : memref<640xf32, #tpu.memory_space<vmem_shared>>) target_semaphore(%run_scoped3A : memref<!tpu.dma_semaphore, #tpu.memory_space<semaphore_mem>>)
      %dma_wait3A = tpu.memref_slice %arg17[%mul3A_2] : memref<10240xf32, #tpu.memory_space<vmem_shared>> -> memref<640xf32, #tpu.memory_space<vmem_shared>>
      %dma_wait3A_53 = tpu.memref_slice %arg17[%mul3A_2] : memref<10240xf32, #tpu.memory_space<vmem_shared>> -> memref<640xf32, #tpu.memory_space<vmem_shared>>
      tpu.wait_dma2 semaphore(%run_scoped3A : memref<!tpu.dma_semaphore, #tpu.memory_space<semaphore_mem>>) src(%arg15 : memref<640xf32, #tpu.memory_space<vmem>>) dst(%dma_wait3A_53 : memref<640xf32, #tpu.memory_space<vmem_shared>>)
      tpu.yield
    }) : () -> ()
    %eq3A = arith.constant 0 : i32
    %eq3A_43 = arith.cmpi eq, %arg0, %eq3A : i32
    %convert_element_type3A = arith.extui %eq3A_43 : i1 to i32
    %cond3A = arith.constant 0 : i32
    %cond3A_44 = arith.cmpi ne, %convert_element_type3A, %cond3A : i32
    scf.if %cond3A_44 {
      "tpu.region"() ({
        %run_scoped3A = tpu.sem_alloc : memref<!tpu.dma_semaphore, #tpu.memory_space<semaphore_mem>>
        %dma_start3A = tpu.memref_slice %arg7[%mul3A_2] : memref<10240xf32, #tpu.memory_space<hbm>> -> memref<640xf32, #tpu.memory_space<hbm>>
        %dma_start3A_52 = tpu.memref_slice %arg7[%mul3A_2] : memref<10240xf32, #tpu.memory_space<hbm>> -> memref<640xf32, #tpu.memory_space<hbm>>
        tpu.enqueue_dma source(%arg15 : memref<640xf32, #tpu.memory_space<vmem>>) target(%dma_start3A_52 : memref<640xf32, #tpu.memory_space<hbm>>) target_semaphore(%run_scoped3A : memref<!tpu.dma_semaphore, #tpu.memory_space<semaphore_mem>>)
        %dma_wait3A = tpu.memref_slice %arg7[%mul3A_2] : memref<10240xf32, #tpu.memory_space<hbm>> -> memref<640xf32, #tpu.memory_space<hbm>>
        %dma_wait3A_53 = tpu.memref_slice %arg7[%mul3A_2] : memref<10240xf32, #tpu.memory_space<hbm>> -> memref<640xf32, #tpu.memory_space<hbm>>
        tpu.wait_dma2 semaphore(%run_scoped3A : memref<!tpu.dma_semaphore, #tpu.memory_space<semaphore_mem>>) src(%arg15 : memref<640xf32, #tpu.memory_space<vmem>>) dst(%dma_wait3A_53 : memref<640xf32, #tpu.memory_space<hbm>>)
        tpu.yield
      }) : () -> ()
    } else {
    }
    %barrier3A_45 = arith.constant 0 : index
    tpu.barrier barrier_id(%barrier3A_45)
    "tpu.region"() ({
      %run_scoped3A = tpu.sem_alloc : memref<!tpu.dma_semaphore, #tpu.memory_space<semaphore_mem>>
      tpu.enqueue_dma source(%arg17 : memref<10240xf32, #tpu.memory_space<vmem_shared>>) target(%arg11 : memref<10240xf32, #tpu.memory_space<vmem>>) target_semaphore(%run_scoped3A : memref<!tpu.dma_semaphore, #tpu.memory_space<semaphore_mem>>)
      tpu.wait_dma2 semaphore(%run_scoped3A : memref<!tpu.dma_semaphore, #tpu.memory_space<semaphore_mem>>) src(%arg17 : memref<10240xf32, #tpu.memory_space<vmem_shared>>) dst(%arg11 : memref<10240xf32, #tpu.memory_space<vmem>>)
      tpu.yield
    }) : () -> ()
    %scan3A_46 = arith.constant 0 : i32
    %scan3A_47 = arith.constant 4 : i32
    %scan3A_48 = arith.addi %scan3A_46, %scan3A_47 : i32
    %scan3A_49 = arith.constant 1 : i32
    scf.for %scan3A_52 = %scan3A_46 to %scan3A_48 step %scan3A_49  : i32 {
      %mul3A_53 = arith.constant 40 : i32
      %mul3A_54 = arith.muli %scan3A_52, %mul3A_53 : i32
      "tpu.region"() ({
        %run_scoped3A = tpu.sem_alloc : memref<!tpu.dma_semaphore, #tpu.memory_space<semaphore_mem>>
        %dma_start3A_77 = arith.constant 0 : i32
        %dma_start3A_78 = tpu.memref_slice %arg3[%add3A, %mul3A_54, %dma_start3A_77] : memref<32x160x64xi32, #tpu.memory_space<hbm>> -> memref<1x40x64xi32, #tpu.memory_space<hbm>>
        %dma_start3A_79 = tpu.memref_squeeze %dma_start3A_78 : memref<1x40x64xi32, #tpu.memory_space<hbm>> -> memref<40x64xi32, #tpu.memory_space<hbm>>
        %dma_start3A_80 = arith.constant 0 : i32
        %dma_start3A_81 = tpu.memref_slice %arg3[%add3A, %mul3A_54, %dma_start3A_80] : memref<32x160x64xi32, #tpu.memory_space<hbm>> -> memref<1x40x64xi32, #tpu.memory_space<hbm>>
        %dma_start3A_82 = tpu.memref_squeeze %dma_start3A_81 : memref<1x40x64xi32, #tpu.memory_space<hbm>> -> memref<40x64xi32, #tpu.memory_space<hbm>>
        tpu.enqueue_dma source(%dma_start3A_82 : memref<40x64xi32, #tpu.memory_space<hbm>>) target(%arg8 : memref<40x64xi32, #tpu.memory_space<vmem>>) target_semaphore(%run_scoped3A : memref<!tpu.dma_semaphore, #tpu.memory_space<semaphore_mem>>)
        %dma_wait3A = arith.constant 0 : i32
        %dma_wait3A_83 = tpu.memref_slice %arg3[%add3A, %mul3A_54, %dma_wait3A] : memref<32x160x64xi32, #tpu.memory_space<hbm>> -> memref<1x40x64xi32, #tpu.memory_space<hbm>>
        %dma_wait3A_84 = tpu.memref_squeeze %dma_wait3A_83 : memref<1x40x64xi32, #tpu.memory_space<hbm>> -> memref<40x64xi32, #tpu.memory_space<hbm>>
        %dma_wait3A_85 = arith.constant 0 : i32
        %dma_wait3A_86 = tpu.memref_slice %arg3[%add3A, %mul3A_54, %dma_wait3A_85] : memref<32x160x64xi32, #tpu.memory_space<hbm>> -> memref<1x40x64xi32, #tpu.memory_space<hbm>>
        %dma_wait3A_87 = tpu.memref_squeeze %dma_wait3A_86 : memref<1x40x64xi32, #tpu.memory_space<hbm>> -> memref<40x64xi32, #tpu.memory_space<hbm>>
        tpu.wait_dma2 semaphore(%run_scoped3A : memref<!tpu.dma_semaphore, #tpu.memory_space<semaphore_mem>>) src(%dma_wait3A_87 : memref<40x64xi32, #tpu.memory_space<hbm>>) dst(%arg8 : memref<40x64xi32, #tpu.memory_space<vmem>>)
        tpu.yield
      }) : () -> ()
      %mul3A_55 = arith.constant 40 : i32
      %mul3A_56 = arith.muli %scan3A_52, %mul3A_55 : i32
      "tpu.region"() ({
        %run_scoped3A = tpu.sem_alloc : memref<!tpu.dma_semaphore, #tpu.memory_space<semaphore_mem>>
        %dma_start3A_77 = arith.constant 0 : i32
        %dma_start3A_78 = tpu.memref_slice %arg4[%add3A, %mul3A_56, %dma_start3A_77] : memref<32x160x64xi32, #tpu.memory_space<hbm>> -> memref<1x40x64xi32, #tpu.memory_space<hbm>>
        %dma_start3A_79 = tpu.memref_squeeze %dma_start3A_78 : memref<1x40x64xi32, #tpu.memory_space<hbm>> -> memref<40x64xi32, #tpu.memory_space<hbm>>
        %dma_start3A_80 = arith.constant 0 : i32
        %dma_start3A_81 = tpu.memref_slice %arg4[%add3A, %mul3A_56, %dma_start3A_80] : memref<32x160x64xi32, #tpu.memory_space<hbm>> -> memref<1x40x64xi32, #tpu.memory_space<hbm>>
        %dma_start3A_82 = tpu.memref_squeeze %dma_start3A_81 : memref<1x40x64xi32, #tpu.memory_space<hbm>> -> memref<40x64xi32, #tpu.memory_space<hbm>>
        tpu.enqueue_dma source(%dma_start3A_82 : memref<40x64xi32, #tpu.memory_space<hbm>>) target(%arg9 : memref<40x64xi32, #tpu.memory_space<vmem>>) target_semaphore(%run_scoped3A : memref<!tpu.dma_semaphore, #tpu.memory_space<semaphore_mem>>)
        %dma_wait3A = arith.constant 0 : i32
        %dma_wait3A_83 = tpu.memref_slice %arg4[%add3A, %mul3A_56, %dma_wait3A] : memref<32x160x64xi32, #tpu.memory_space<hbm>> -> memref<1x40x64xi32, #tpu.memory_space<hbm>>
        %dma_wait3A_84 = tpu.memref_squeeze %dma_wait3A_83 : memref<1x40x64xi32, #tpu.memory_space<hbm>> -> memref<40x64xi32, #tpu.memory_space<hbm>>
        %dma_wait3A_85 = arith.constant 0 : i32
        %dma_wait3A_86 = tpu.memref_slice %arg4[%add3A, %mul3A_56, %dma_wait3A_85] : memref<32x160x64xi32, #tpu.memory_space<hbm>> -> memref<1x40x64xi32, #tpu.memory_space<hbm>>
        %dma_wait3A_87 = tpu.memref_squeeze %dma_wait3A_86 : memref<1x40x64xi32, #tpu.memory_space<hbm>> -> memref<40x64xi32, #tpu.memory_space<hbm>>
        tpu.wait_dma2 semaphore(%run_scoped3A : memref<!tpu.dma_semaphore, #tpu.memory_space<semaphore_mem>>) src(%dma_wait3A_87 : memref<40x64xi32, #tpu.memory_space<hbm>>) dst(%arg9 : memref<40x64xi32, #tpu.memory_space<vmem>>)
        tpu.yield
      }) : () -> ()
      %mul3A_57 = arith.constant 40 : i32
      %mul3A_58 = arith.muli %scan3A_52, %mul3A_57 : i32
      "tpu.region"() ({
        %run_scoped3A = tpu.sem_alloc : memref<!tpu.dma_semaphore, #tpu.memory_space<semaphore_mem>>
        %dma_start3A_77 = arith.constant 0 : i32
        %dma_start3A_78 = tpu.memref_slice %arg5[%add3A, %mul3A_58, %dma_start3A_77] : memref<32x160x64xf32, #tpu.memory_space<hbm>> -> memref<1x40x64xf32, #tpu.memory_space<hbm>>
        %dma_start3A_79 = tpu.memref_squeeze %dma_start3A_78 : memref<1x40x64xf32, #tpu.memory_space<hbm>> -> memref<40x64xf32, #tpu.memory_space<hbm>>
        %dma_start3A_80 = arith.constant 0 : i32
        %dma_start3A_81 = tpu.memref_slice %arg5[%add3A, %mul3A_58, %dma_start3A_80] : memref<32x160x64xf32, #tpu.memory_space<hbm>> -> memref<1x40x64xf32, #tpu.memory_space<hbm>>
        %dma_start3A_82 = tpu.memref_squeeze %dma_start3A_81 : memref<1x40x64xf32, #tpu.memory_space<hbm>> -> memref<40x64xf32, #tpu.memory_space<hbm>>
        tpu.enqueue_dma source(%dma_start3A_82 : memref<40x64xf32, #tpu.memory_space<hbm>>) target(%arg10 : memref<40x64xf32, #tpu.memory_space<vmem>>) target_semaphore(%run_scoped3A : memref<!tpu.dma_semaphore, #tpu.memory_space<semaphore_mem>>)
        %dma_wait3A = arith.constant 0 : i32
        %dma_wait3A_83 = tpu.memref_slice %arg5[%add3A, %mul3A_58, %dma_wait3A] : memref<32x160x64xf32, #tpu.memory_space<hbm>> -> memref<1x40x64xf32, #tpu.memory_space<hbm>>
        %dma_wait3A_84 = tpu.memref_squeeze %dma_wait3A_83 : memref<1x40x64xf32, #tpu.memory_space<hbm>> -> memref<40x64xf32, #tpu.memory_space<hbm>>
        %dma_wait3A_85 = arith.constant 0 : i32
        %dma_wait3A_86 = tpu.memref_slice %arg5[%add3A, %mul3A_58, %dma_wait3A_85] : memref<32x160x64xf32, #tpu.memory_space<hbm>> -> memref<1x40x64xf32, #tpu.memory_space<hbm>>
        %dma_wait3A_87 = tpu.memref_squeeze %dma_wait3A_86 : memref<1x40x64xf32, #tpu.memory_space<hbm>> -> memref<40x64xf32, #tpu.memory_space<hbm>>
        tpu.wait_dma2 semaphore(%run_scoped3A : memref<!tpu.dma_semaphore, #tpu.memory_space<semaphore_mem>>) src(%dma_wait3A_87 : memref<40x64xf32, #tpu.memory_space<hbm>>) dst(%arg10 : memref<40x64xf32, #tpu.memory_space<vmem>>)
        tpu.yield
      }) : () -> ()
      %dma_start3A = arith.constant 0 : i32
      %dma_start3A_59 = arith.constant 0 : i32
      %dma_start3A_60 = tpu.memref_slice %arg8[%dma_start3A, %dma_start3A_59] : memref<40x64xi32, #tpu.memory_space<vmem>> -> memref<1x64xi32, #tpu.memory_space<vmem>>
      %dma_start3A_61 = tpu.memref_squeeze %dma_start3A_60 : memref<1x64xi32, #tpu.memory_space<vmem>> -> memref<64xi32, #tpu.memory_space<vmem>>
      %dma_start3A_62 = arith.constant 0 : i32
      %dma_start3A_63 = arith.constant 0 : i32
      %dma_start3A_64 = tpu.memref_slice %arg2[%dma_start3A_62, %dma_start3A_63] : memref<10000x128xf32, #tpu.memory_space<hbm>> -> memref<10000x128xf32, #tpu.memory_space<hbm>>
      tpu.enqueue_indirect_dma source(%dma_start3A_64 : memref<10000x128xf32, #tpu.memory_space<hbm>>) target(%arg12 : memref<64x128xf32, #tpu.memory_space<vmem>>) offsets(%dma_start3A_61 : memref<64xi32, #tpu.memory_space<vmem>>) semaphore(%arg18 : memref<!tpu.dma_semaphore, #tpu.memory_space<semaphore_mem>>)
      %dma_start3A_65 = arith.constant 1 : i32
      %dma_start3A_66 = arith.constant 0 : i32
      %dma_start3A_67 = tpu.memref_slice %arg8[%dma_start3A_65, %dma_start3A_66] : memref<40x64xi32, #tpu.memory_space<vmem>> -> memref<1x64xi32, #tpu.memory_space<vmem>>
      %dma_start3A_68 = tpu.memref_squeeze %dma_start3A_67 : memref<1x64xi32, #tpu.memory_space<vmem>> -> memref<64xi32, #tpu.memory_space<vmem>>
      %dma_start3A_69 = arith.constant 0 : i32
      %dma_start3A_70 = arith.constant 0 : i32
      %dma_start3A_71 = tpu.memref_slice %arg2[%dma_start3A_69, %dma_start3A_70] : memref<10000x128xf32, #tpu.memory_space<hbm>> -> memref<10000x128xf32, #tpu.memory_space<hbm>>
      tpu.enqueue_indirect_dma source(%dma_start3A_71 : memref<10000x128xf32, #tpu.memory_space<hbm>>) target(%arg13 : memref<64x128xf32, #tpu.memory_space<vmem>>) offsets(%dma_start3A_68 : memref<64xi32, #tpu.memory_space<vmem>>) semaphore(%arg19 : memref<!tpu.dma_semaphore, #tpu.memory_space<semaphore_mem>>)
      %scan3A_72 = arith.constant 0 : i32
      %scan3A_73 = arith.constant 20 : i32
      %scan3A_74 = arith.addi %scan3A_72, %scan3A_73 : i32
      %scan3A_75 = arith.constant 1 : i32
      scf.for %scan3A_77 = %scan3A_72 to %scan3A_74 step %scan3A_75  : i32 {
        %mul3A_78 = arith.constant 2 : i32
        %mul3A_79 = arith.muli %mul3A_78, %scan3A_77 : i32
        %add3A_80 = arith.constant 1 : i32
        %add3A_81 = arith.addi %mul3A_79, %add3A_80 : i32
        %dma_wait3A = arith.constant 0 : i32
        %dma_wait3A_82 = tpu.memref_slice %arg8[%mul3A_79, %dma_wait3A] : memref<40x64xi32, #tpu.memory_space<vmem>> -> memref<1x64xi32, #tpu.memory_space<vmem>>
        %dma_wait3A_83 = tpu.memref_squeeze %dma_wait3A_82 : memref<1x64xi32, #tpu.memory_space<vmem>> -> memref<64xi32, #tpu.memory_space<vmem>>
        %dma_wait3A_84 = arith.constant 0 : i32
        %dma_wait3A_85 = arith.constant 0 : i32
        %dma_wait3A_86 = tpu.memref_slice %arg2[%dma_wait3A_84, %dma_wait3A_85] : memref<10000x128xf32, #tpu.memory_space<hbm>> -> memref<10000x128xf32, #tpu.memory_space<hbm>>
        tpu.wait_indirect_dma semaphore(%arg18 : memref<!tpu.dma_semaphore, #tpu.memory_space<semaphore_mem>>) src(%dma_wait3A_86 : memref<10000x128xf32, #tpu.memory_space<hbm>>) dst(%arg12 : memref<64x128xf32, #tpu.memory_space<vmem>>)
        %get3A = arith.index_cast %mul3A_79 : i32 to index
        %get3A_87 = arith.constant 0 : index
        %get3A_88 = tpu.vector_load %arg8[%get3A, %get3A_87] {strides = array<i32>} : memref<40x64xi32, #tpu.memory_space<vmem>>, vector<16xi32>,
        %get3A_89 = arith.index_cast %mul3A_79 : i32 to index
        %get3A_90 = arith.constant 0 : index
        %get3A_91 = tpu.vector_load %arg9[%get3A_89, %get3A_90] {strides = array<i32>} : memref<40x64xi32, #tpu.memory_space<vmem>>, vector<16xi32>,
        %gather3A = tpu.vector_load_idx %arg11[%get3A_88] : memref<10240xf32, #tpu.memory_space<vmem>>[vector<16xi32>], vector<16xf32>,
        %gather3A_92 = tpu.vector_load_idx %arg11[%get3A_91] : memref<10240xf32, #tpu.memory_space<vmem>>[vector<16xi32>], vector<16xf32>,
        %get3A_93 = arith.index_cast %mul3A_79 : i32 to index
        %get3A_94 = arith.constant 0 : index
        %get3A_95 = tpu.vector_load %arg10[%get3A_93, %get3A_94] {strides = array<i32>} : memref<40x64xf32, #tpu.memory_space<vmem>>, vector<16xf32>,
        %mul3A_96 = arith.mulf %gather3A, %get3A_95 : vector<16xf32>
        %mul3A_97 = arith.mulf %mul3A_96, %gather3A_92 : vector<16xf32>
        %swap3A = arith.constant 0 : index
        %swap3A_98 = tpu.vector_load %arg14[%swap3A] {strides = array<i32>} : memref<64xf32, #tpu.memory_space<vmem>>, vector<16xf32>,
        tpu.vector_store %arg14[%swap3A], %mul3A_97 {strides = array<i32>} : memref<64xf32, #tpu.memory_space<vmem>>, vector<16xf32>,
        %get3A_99 = arith.index_cast %mul3A_79 : i32 to index
        %get3A_100 = arith.constant 16 : index
        %get3A_101 = tpu.vector_load %arg8[%get3A_99, %get3A_100] {strides = array<i32>} : memref<40x64xi32, #tpu.memory_space<vmem>>, vector<16xi32>,
        %get3A_102 = arith.index_cast %mul3A_79 : i32 to index
        %get3A_103 = arith.constant 16 : index
        %get3A_104 = tpu.vector_load %arg9[%get3A_102, %get3A_103] {strides = array<i32>} : memref<40x64xi32, #tpu.memory_space<vmem>>, vector<16xi32>,
        %gather3A_105 = tpu.vector_load_idx %arg11[%get3A_101] : memref<10240xf32, #tpu.memory_space<vmem>>[vector<16xi32>], vector<16xf32>,
        %gather3A_106 = tpu.vector_load_idx %arg11[%get3A_104] : memref<10240xf32, #tpu.memory_space<vmem>>[vector<16xi32>], vector<16xf32>,
        %get3A_107 = arith.index_cast %mul3A_79 : i32 to index
        %get3A_108 = arith.constant 16 : index
        %get3A_109 = tpu.vector_load %arg10[%get3A_107, %get3A_108] {strides = array<i32>} : memref<40x64xf32, #tpu.memory_space<vmem>>, vector<16xf32>,
        %mul3A_110 = arith.mulf %gather3A_105, %get3A_109 : vector<16xf32>
        %mul3A_111 = arith.mulf %mul3A_110, %gather3A_106 : vector<16xf32>
        %swap3A_112 = arith.constant 16 : index
        %swap3A_113 = tpu.vector_load %arg14[%swap3A_112] {strides = array<i32>} : memref<64xf32, #tpu.memory_space<vmem>>, vector<16xf32>,
        tpu.vector_store %arg14[%swap3A_112], %mul3A_111 {strides = array<i32>} : memref<64xf32, #tpu.memory_space<vmem>>, vector<16xf32>,
        %get3A_114 = arith.index_cast %mul3A_79 : i32 to index
        %get3A_115 = arith.constant 32 : index
        %get3A_116 = tpu.vector_load %arg8[%get3A_114, %get3A_115] {strides = array<i32>} : memref<40x64xi32, #tpu.memory_space<vmem>>, vector<16xi32>,
        %get3A_117 = arith.index_cast %mul3A_79 : i32 to index
        %get3A_118 = arith.constant 32 : index
        %get3A_119 = tpu.vector_load %arg9[%get3A_117, %get3A_118] {strides = array<i32>} : memref<40x64xi32, #tpu.memory_space<vmem>>, vector<16xi32>,
        %gather3A_120 = tpu.vector_load_idx %arg11[%get3A_116] : memref<10240xf32, #tpu.memory_space<vmem>>[vector<16xi32>], vector<16xf32>,
        %gather3A_121 = tpu.vector_load_idx %arg11[%get3A_119] : memref<10240xf32, #tpu.memory_space<vmem>>[vector<16xi32>], vector<16xf32>,
        %get3A_122 = arith.index_cast %mul3A_79 : i32 to index
        %get3A_123 = arith.constant 32 : index
        %get3A_124 = tpu.vector_load %arg10[%get3A_122, %get3A_123] {strides = array<i32>} : memref<40x64xf32, #tpu.memory_space<vmem>>, vector<16xf32>,
        %mul3A_125 = arith.mulf %gather3A_120, %get3A_124 : vector<16xf32>
        %mul3A_126 = arith.mulf %mul3A_125, %gather3A_121 : vector<16xf32>
        %swap3A_127 = arith.constant 32 : index
        %swap3A_128 = tpu.vector_load %arg14[%swap3A_127] {strides = array<i32>} : memref<64xf32, #tpu.memory_space<vmem>>, vector<16xf32>,
        tpu.vector_store %arg14[%swap3A_127], %mul3A_126 {strides = array<i32>} : memref<64xf32, #tpu.memory_space<vmem>>, vector<16xf32>,
        %get3A_129 = arith.index_cast %mul3A_79 : i32 to index
        %get3A_130 = arith.constant 48 : index
        %get3A_131 = tpu.vector_load %arg8[%get3A_129, %get3A_130] {strides = array<i32>} : memref<40x64xi32, #tpu.memory_space<vmem>>, vector<16xi32>,
        %get3A_132 = arith.index_cast %mul3A_79 : i32 to index
        %get3A_133 = arith.constant 48 : index
        %get3A_134 = tpu.vector_load %arg9[%get3A_132, %get3A_133] {strides = array<i32>} : memref<40x64xi32, #tpu.memory_space<vmem>>, vector<16xi32>,
        %gather3A_135 = tpu.vector_load_idx %arg11[%get3A_131] : memref<10240xf32, #tpu.memory_space<vmem>>[vector<16xi32>], vector<16xf32>,
        %gather3A_136 = tpu.vector_load_idx %arg11[%get3A_134] : memref<10240xf32, #tpu.memory_space<vmem>>[vector<16xi32>], vector<16xf32>,
        %get3A_137 = arith.index_cast %mul3A_79 : i32 to index
        %get3A_138 = arith.constant 48 : index
        %get3A_139 = tpu.vector_load %arg10[%get3A_137, %get3A_138] {strides = array<i32>} : memref<40x64xf32, #tpu.memory_space<vmem>>, vector<16xf32>,
        %mul3A_140 = arith.mulf %gather3A_135, %get3A_139 : vector<16xf32>
        %mul3A_141 = arith.mulf %mul3A_140, %gather3A_136 : vector<16xf32>
        %swap3A_142 = arith.constant 48 : index
        %swap3A_143 = tpu.vector_load %arg14[%swap3A_142] {strides = array<i32>} : memref<64xf32, #tpu.memory_space<vmem>>, vector<16xf32>,
        tpu.vector_store %arg14[%swap3A_142], %mul3A_141 {strides = array<i32>} : memref<64xf32, #tpu.memory_space<vmem>>, vector<16xf32>,
        %scan3A_144 = arith.constant 0 : i32
        %scan3A_145 = arith.constant 32 : i32
        %scan3A_146 = arith.addi %scan3A_144, %scan3A_145 : i32
        %scan3A_147 = arith.constant 1 : i32
        scf.for %scan3A_229 = %scan3A_144 to %scan3A_146 step %scan3A_147  : i32 {
          %mul3A_230 = arith.constant 2 : i32
          %mul3A_231 = arith.muli %scan3A_229, %mul3A_230 : i32
          %add3A_232 = arith.constant 0 : i32
          %add3A_233 = arith.addi %mul3A_231, %add3A_232 : i32
          %broadcast_in_dim3A = vector.broadcast %add3A_233 : i32 to vector<16xi32>
          %gather3A_234 = tpu.vector_load_idx %arg14[%broadcast_in_dim3A] : memref<64xf32, #tpu.memory_space<vmem>>[vector<16xi32>], vector<16xf32>,
          %get3A_235 = arith.index_cast %add3A_233 : i32 to index
          %get3A_236 = arith.constant 0 : index
          %get3A_237 = tpu.vector_load %arg12[%get3A_235, %get3A_236] {strides = array<i32>} : memref<64x128xf32, #tpu.memory_space<vmem>>, vector<16xf32>,
          %mul3A_238 = arith.mulf %get3A_237, %gather3A_234 : vector<16xf32>
          %swap3A_239 = arith.index_cast %add3A_233 : i32 to index
          %swap3A_240 = arith.constant 0 : index
          %swap3A_241 = tpu.vector_load %arg12[%swap3A_239, %swap3A_240] {strides = array<i32>} : memref<64x128xf32, #tpu.memory_space<vmem>>, vector<16xf32>,
          tpu.vector_store %arg12[%swap3A_239, %swap3A_240], %mul3A_238 {strides = array<i32>} : memref<64x128xf32, #tpu.memory_space<vmem>>, vector<16xf32>,
          %get3A_242 = arith.index_cast %add3A_233 : i32 to index
          %get3A_243 = arith.constant 16 : index
          %get3A_244 = tpu.vector_load %arg12[%get3A_242, %get3A_243] {strides = array<i32>} : memref<64x128xf32, #tpu.memory_space<vmem>>, vector<16xf32>,
          %mul3A_245 = arith.mulf %get3A_244, %gather3A_234 : vector<16xf32>
          %swap3A_246 = arith.index_cast %add3A_233 : i32 to index
          %swap3A_247 = arith.constant 16 : index
          %swap3A_248 = tpu.vector_load %arg12[%swap3A_246, %swap3A_247] {strides = array<i32>} : memref<64x128xf32, #tpu.memory_space<vmem>>, vector<16xf32>,
          tpu.vector_store %arg12[%swap3A_246, %swap3A_247], %mul3A_245 {strides = array<i32>} : memref<64x128xf32, #tpu.memory_space<vmem>>, vector<16xf32>,
          %get3A_249 = arith.index_cast %add3A_233 : i32 to index
          %get3A_250 = arith.constant 32 : index
          %get3A_251 = tpu.vector_load %arg12[%get3A_249, %get3A_250] {strides = array<i32>} : memref<64x128xf32, #tpu.memory_space<vmem>>, vector<16xf32>,
          %mul3A_252 = arith.mulf %get3A_251, %gather3A_234 : vector<16xf32>
          %swap3A_253 = arith.index_cast %add3A_233 : i32 to index
          %swap3A_254 = arith.constant 32 : index
          %swap3A_255 = tpu.vector_load %arg12[%swap3A_253, %swap3A_254] {strides = array<i32>} : memref<64x128xf32, #tpu.memory_space<vmem>>, vector<16xf32>,
          tpu.vector_store %arg12[%swap3A_253, %swap3A_254], %mul3A_252 {strides = array<i32>} : memref<64x128xf32, #tpu.memory_space<vmem>>, vector<16xf32>,
          %get3A_256 = arith.index_cast %add3A_233 : i32 to index
          %get3A_257 = arith.constant 48 : index
          %get3A_258 = tpu.vector_load %arg12[%get3A_256, %get3A_257] {strides = array<i32>} : memref<64x128xf32, #tpu.memory_space<vmem>>, vector<16xf32>,
          %mul3A_259 = arith.mulf %get3A_258, %gather3A_234 : vector<16xf32>
          %swap3A_260 = arith.index_cast %add3A_233 : i32 to index
          %swap3A_261 = arith.constant 48 : index
          %swap3A_262 = tpu.vector_load %arg12[%swap3A_260, %swap3A_261] {strides = array<i32>} : memref<64x128xf32, #tpu.memory_space<vmem>>, vector<16xf32>,
          tpu.vector_store %arg12[%swap3A_260, %swap3A_261], %mul3A_259 {strides = array<i32>} : memref<64x128xf32, #tpu.memory_space<vmem>>, vector<16xf32>,
          %get3A_263 = arith.index_cast %add3A_233 : i32 to index
          %get3A_264 = arith.constant 64 : index
          %get3A_265 = tpu.vector_load %arg12[%get3A_263, %get3A_264] {strides = array<i32>} : memref<64x128xf32, #tpu.memory_space<vmem>>, vector<16xf32>,
          %mul3A_266 = arith.mulf %get3A_265, %gather3A_234 : vector<16xf32>
          %swap3A_267 = arith.index_cast %add3A_233 : i32 to index
          %swap3A_268 = arith.constant 64 : index
          %swap3A_269 = tpu.vector_load %arg12[%swap3A_267, %swap3A_268] {strides = array<i32>} : memref<64x128xf32, #tpu.memory_space<vmem>>, vector<16xf32>,
          tpu.vector_store %arg12[%swap3A_267, %swap3A_268], %mul3A_266 {strides = array<i32>} : memref<64x128xf32, #tpu.memory_space<vmem>>, vector<16xf32>,
          %get3A_270 = arith.index_cast %add3A_233 : i32 to index
          %get3A_271 = arith.constant 80 : index
          %get3A_272 = tpu.vector_load %arg12[%get3A_270, %get3A_271] {strides = array<i32>} : memref<64x128xf32, #tpu.memory_space<vmem>>, vector<16xf32>,
          %mul3A_273 = arith.mulf %get3A_272, %gather3A_234 : vector<16xf32>
          %swap3A_274 = arith.index_cast %add3A_233 : i32 to index
          %swap3A_275 = arith.constant 80 : index
          %swap3A_276 = tpu.vector_load %arg12[%swap3A_274, %swap3A_275] {strides = array<i32>} : memref<64x128xf32, #tpu.memory_space<vmem>>, vector<16xf32>,
          tpu.vector_store %arg12[%swap3A_274, %swap3A_275], %mul3A_273 {strides = array<i32>} : memref<64x128xf32, #tpu.memory_space<vmem>>, vector<16xf32>,
          %get3A_277 = arith.index_cast %add3A_233 : i32 to index
          %get3A_278 = arith.constant 96 : index
          %get3A_279 = tpu.vector_load %arg12[%get3A_277, %get3A_278] {strides = array<i32>} : memref<64x128xf32, #tpu.memory_space<vmem>>, vector<16xf32>,
          %mul3A_280 = arith.mulf %get3A_279, %gather3A_234 : vector<16xf32>
          %swap3A_281 = arith.index_cast %add3A_233 : i32 to index
          %swap3A_282 = arith.constant 96 : index
          %swap3A_283 = tpu.vector_load %arg12[%swap3A_281, %swap3A_282] {strides = array<i32>} : memref<64x128xf32, #tpu.memory_space<vmem>>, vector<16xf32>,
          tpu.vector_store %arg12[%swap3A_281, %swap3A_282], %mul3A_280 {strides = array<i32>} : memref<64x128xf32, #tpu.memory_space<vmem>>, vector<16xf32>,
          %get3A_284 = arith.index_cast %add3A_233 : i32 to index
          %get3A_285 = arith.constant 112 : index
          %get3A_286 = tpu.vector_load %arg12[%get3A_284, %get3A_285] {strides = array<i32>} : memref<64x128xf32, #tpu.memory_space<vmem>>, vector<16xf32>,
          %mul3A_287 = arith.mulf %get3A_286, %gather3A_234 : vector<16xf32>
          %swap3A_288 = arith.index_cast %add3A_233 : i32 to index
          %swap3A_289 = arith.constant 112 : index
          %swap3A_290 = tpu.vector_load %arg12[%swap3A_288, %swap3A_289] {strides = array<i32>} : memref<64x128xf32, #tpu.memory_space<vmem>>, vector<16xf32>,
          tpu.vector_store %arg12[%swap3A_288, %swap3A_289], %mul3A_287 {strides = array<i32>} : memref<64x128xf32, #tpu.memory_space<vmem>>, vector<16xf32>,
          %mul3A_291 = arith.constant 2 : i32
          %mul3A_292 = arith.muli %scan3A_229, %mul3A_291 : i32
          %add3A_293 = arith.constant 1 : i32
          %add3A_294 = arith.addi %mul3A_292, %add3A_293 : i32
          %broadcast_in_dim3A_295 = vector.broadcast %add3A_294 : i32 to vector<16xi32>
          %gather3A_296 = tpu.vector_load_idx %arg14[%broadcast_in_dim3A_295] : memref<64xf32, #tpu.memory_space<vmem>>[vector<16xi32>], vector<16xf32>,
          %get3A_297 = arith.index_cast %add3A_294 : i32 to index
          %get3A_298 = arith.constant 0 : index
          %get3A_299 = tpu.vector_load %arg12[%get3A_297, %get3A_298] {strides = array<i32>} : memref<64x128xf32, #tpu.memory_space<vmem>>, vector<16xf32>,
          %mul3A_300 = arith.mulf %get3A_299, %gather3A_296 : vector<16xf32>
          %swap3A_301 = arith.index_cast %add3A_294 : i32 to index
          %swap3A_302 = arith.constant 0 : index
          %swap3A_303 = tpu.vector_load %arg12[%swap3A_301, %swap3A_302] {strides = array<i32>} : memref<64x128xf32, #tpu.memory_space<vmem>>, vector<16xf32>,
          tpu.vector_store %arg12[%swap3A_301, %swap3A_302], %mul3A_300 {strides = array<i32>} : memref<64x128xf32, #tpu.memory_space<vmem>>, vector<16xf32>,
          %get3A_304 = arith.index_cast %add3A_294 : i32 to index
          %get3A_305 = arith.constant 16 : index
          %get3A_306 = tpu.vector_load %arg12[%get3A_304, %get3A_305] {strides = array<i32>} : memref<64x128xf32, #tpu.memory_space<vmem>>, vector<16xf32>,
          %mul3A_307 = arith.mulf %get3A_306, %gather3A_296 : vector<16xf32>
          %swap3A_308 = arith.index_cast %add3A_294 : i32 to index
          %swap3A_309 = arith.constant 16 : index
          %swap3A_310 = tpu.vector_load %arg12[%swap3A_308, %swap3A_309] {strides = array<i32>} : memref<64x128xf32, #tpu.memory_space<vmem>>, vector<16xf32>,
          tpu.vector_store %arg12[%swap3A_308, %swap3A_309], %mul3A_307 {strides = array<i32>} : memref<64x128xf32, #tpu.memory_space<vmem>>, vector<16xf32>,
          %get3A_311 = arith.index_cast %add3A_294 : i32 to index
          %get3A_312 = arith.constant 32 : index
          %get3A_313 = tpu.vector_load %arg12[%get3A_311, %get3A_312] {strides = array<i32>} : memref<64x128xf32, #tpu.memory_space<vmem>>, vector<16xf32>,
          %mul3A_314 = arith.mulf %get3A_313, %gather3A_296 : vector<16xf32>
          %swap3A_315 = arith.index_cast %add3A_294 : i32 to index
          %swap3A_316 = arith.constant 32 : index
          %swap3A_317 = tpu.vector_load %arg12[%swap3A_315, %swap3A_316] {strides = array<i32>} : memref<64x128xf32, #tpu.memory_space<vmem>>, vector<16xf32>,
          tpu.vector_store %arg12[%swap3A_315, %swap3A_316], %mul3A_314 {strides = array<i32>} : memref<64x128xf32, #tpu.memory_space<vmem>>, vector<16xf32>,
          %get3A_318 = arith.index_cast %add3A_294 : i32 to index
          %get3A_319 = arith.constant 48 : index
          %get3A_320 = tpu.vector_load %arg12[%get3A_318, %get3A_319] {strides = array<i32>} : memref<64x128xf32, #tpu.memory_space<vmem>>, vector<16xf32>,
          %mul3A_321 = arith.mulf %get3A_320, %gather3A_296 : vector<16xf32>
          %swap3A_322 = arith.index_cast %add3A_294 : i32 to index
          %swap3A_323 = arith.constant 48 : index
          %swap3A_324 = tpu.vector_load %arg12[%swap3A_322, %swap3A_323] {strides = array<i32>} : memref<64x128xf32, #tpu.memory_space<vmem>>, vector<16xf32>,
          tpu.vector_store %arg12[%swap3A_322, %swap3A_323], %mul3A_321 {strides = array<i32>} : memref<64x128xf32, #tpu.memory_space<vmem>>, vector<16xf32>,
          %get3A_325 = arith.index_cast %add3A_294 : i32 to index
          %get3A_326 = arith.constant 64 : index
          %get3A_327 = tpu.vector_load %arg12[%get3A_325, %get3A_326] {strides = array<i32>} : memref<64x128xf32, #tpu.memory_space<vmem>>, vector<16xf32>,
          %mul3A_328 = arith.mulf %get3A_327, %gather3A_296 : vector<16xf32>
          %swap3A_329 = arith.index_cast %add3A_294 : i32 to index
          %swap3A_330 = arith.constant 64 : index
          %swap3A_331 = tpu.vector_load %arg12[%swap3A_329, %swap3A_330] {strides = array<i32>} : memref<64x128xf32, #tpu.memory_space<vmem>>, vector<16xf32>,
          tpu.vector_store %arg12[%swap3A_329, %swap3A_330], %mul3A_328 {strides = array<i32>} : memref<64x128xf32, #tpu.memory_space<vmem>>, vector<16xf32>,
          %get3A_332 = arith.index_cast %add3A_294 : i32 to index
          %get3A_333 = arith.constant 80 : index
          %get3A_334 = tpu.vector_load %arg12[%get3A_332, %get3A_333] {strides = array<i32>} : memref<64x128xf32, #tpu.memory_space<vmem>>, vector<16xf32>,
          %mul3A_335 = arith.mulf %get3A_334, %gather3A_296 : vector<16xf32>
          %swap3A_336 = arith.index_cast %add3A_294 : i32 to index
          %swap3A_337 = arith.constant 80 : index
          %swap3A_338 = tpu.vector_load %arg12[%swap3A_336, %swap3A_337] {strides = array<i32>} : memref<64x128xf32, #tpu.memory_space<vmem>>, vector<16xf32>,
          tpu.vector_store %arg12[%swap3A_336, %swap3A_337], %mul3A_335 {strides = array<i32>} : memref<64x128xf32, #tpu.memory_space<vmem>>, vector<16xf32>,
          %get3A_339 = arith.index_cast %add3A_294 : i32 to index
          %get3A_340 = arith.constant 96 : index
          %get3A_341 = tpu.vector_load %arg12[%get3A_339, %get3A_340] {strides = array<i32>} : memref<64x128xf32, #tpu.memory_space<vmem>>, vector<16xf32>,
          %mul3A_342 = arith.mulf %get3A_341, %gather3A_296 : vector<16xf32>
          %swap3A_343 = arith.index_cast %add3A_294 : i32 to index
          %swap3A_344 = arith.constant 96 : index
          %swap3A_345 = tpu.vector_load %arg12[%swap3A_343, %swap3A_344] {strides = array<i32>} : memref<64x128xf32, #tpu.memory_space<vmem>>, vector<16xf32>,
          tpu.vector_store %arg12[%swap3A_343, %swap3A_344], %mul3A_342 {strides = array<i32>} : memref<64x128xf32, #tpu.memory_space<vmem>>, vector<16xf32>,
          %get3A_346 = arith.index_cast %add3A_294 : i32 to index
          %get3A_347 = arith.constant 112 : index
          %get3A_348 = tpu.vector_load %arg12[%get3A_346, %get3A_347] {strides = array<i32>} : memref<64x128xf32, #tpu.memory_space<vmem>>, vector<16xf32>,
          %mul3A_349 = arith.mulf %get3A_348, %gather3A_296 : vector<16xf32>
          %swap3A_350 = arith.index_cast %add3A_294 : i32 to index
          %swap3A_351 = arith.constant 112 : index
          %swap3A_352 = tpu.vector_load %arg12[%swap3A_350, %swap3A_351] {strides = array<i32>} : memref<64x128xf32, #tpu.memory_space<vmem>>, vector<16xf32>,
          tpu.vector_store %arg12[%swap3A_350, %swap3A_351], %mul3A_349 {strides = array<i32>} : memref<64x128xf32, #tpu.memory_space<vmem>>, vector<16xf32>,
        }
        %scan3A_148 = arith.constant 32 : i32
        "tpu.region"() ({
          %run_scoped3A = tpu.sem_alloc : memref<!tpu.dma_semaphore, #tpu.memory_space<semaphore_mem>>
          %dma_start3A_229 = arith.constant 0 : i32
          %dma_start3A_230 = tpu.memref_slice %arg9[%mul3A_79, %dma_start3A_229] : memref<40x64xi32, #tpu.memory_space<vmem>> -> memref<1x64xi32, #tpu.memory_space<vmem>>
          %dma_start3A_231 = tpu.memref_squeeze %dma_start3A_230 : memref<1x64xi32, #tpu.memory_space<vmem>> -> memref<64xi32, #tpu.memory_space<vmem>>
          %dma_start3A_232 = arith.constant 0 : i32
          %dma_start3A_233 = arith.constant 0 : i32
          %dma_start3A_234 = tpu.memref_slice %arg16[%dma_start3A_232, %dma_start3A_233] : memref<10240x128xf32, #tpu.memory_space<vmem_shared>> -> memref<10240x128xf32, #tpu.memory_space<vmem_shared>>
          tpu.enqueue_indirect_dma source(%arg12 : memref<64x128xf32, #tpu.memory_space<vmem>>) target(%dma_start3A_234 : memref<10240x128xf32, #tpu.memory_space<vmem_shared>>) offsets(%dma_start3A_231 : memref<64xi32, #tpu.memory_space<vmem>>) semaphore(%run_scoped3A : memref<!tpu.dma_semaphore, #tpu.memory_space<semaphore_mem>>) {add = true}
          %dma_wait3A_235 = arith.constant 0 : i32
          %dma_wait3A_236 = tpu.memref_slice %arg9[%mul3A_79, %dma_wait3A_235] : memref<40x64xi32, #tpu.memory_space<vmem>> -> memref<1x64xi32, #tpu.memory_space<vmem>>
          %dma_wait3A_237 = tpu.memref_squeeze %dma_wait3A_236 : memref<1x64xi32, #tpu.memory_space<vmem>> -> memref<64xi32, #tpu.memory_space<vmem>>
          %dma_wait3A_238 = arith.constant 0 : i32
          %dma_wait3A_239 = arith.constant 0 : i32
          %dma_wait3A_240 = tpu.memref_slice %arg16[%dma_wait3A_238, %dma_wait3A_239] : memref<10240x128xf32, #tpu.memory_space<vmem_shared>> -> memref<10240x128xf32, #tpu.memory_space<vmem_shared>>
          tpu.wait_indirect_dma semaphore(%run_scoped3A : memref<!tpu.dma_semaphore, #tpu.memory_space<semaphore_mem>>) src(%arg12 : memref<64x128xf32, #tpu.memory_space<vmem>>) dst(%dma_wait3A_240 : memref<10240x128xf32, #tpu.memory_space<vmem_shared>>)
          tpu.yield
        }) : () -> ()
        %lt3A = arith.constant 19 : i32
        %lt3A_149 = arith.cmpi slt, %scan3A_77, %lt3A : i32
        %convert_element_type3A_150 = arith.extui %lt3A_149 : i1 to i32
        %cond3A_151 = arith.constant 0 : i32
        %cond3A_152 = arith.cmpi ne, %convert_element_type3A_150, %cond3A_151 : i32
        scf.if %cond3A_152 {
          %add3A_229 = arith.constant 2 : i32
          %add3A_230 = arith.addi %mul3A_79, %add3A_229 : i32
          %dma_start3A_231 = arith.constant 0 : i32
          %dma_start3A_232 = tpu.memref_slice %arg8[%add3A_230, %dma_start3A_231] : memref<40x64xi32, #tpu.memory_space<vmem>> -> memref<1x64xi32, #tpu.memory_space<vmem>>
          %dma_start3A_233 = tpu.memref_squeeze %dma_start3A_232 : memref<1x64xi32, #tpu.memory_space<vmem>> -> memref<64xi32, #tpu.memory_space<vmem>>
          %dma_start3A_234 = arith.constant 0 : i32
          %dma_start3A_235 = arith.constant 0 : i32
          %dma_start3A_236 = tpu.memref_slice %arg2[%dma_start3A_234, %dma_start3A_235] : memref<10000x128xf32, #tpu.memory_space<hbm>> -> memref<10000x128xf32, #tpu.memory_space<hbm>>
          tpu.enqueue_indirect_dma source(%dma_start3A_236 : memref<10000x128xf32, #tpu.memory_space<hbm>>) target(%arg12 : memref<64x128xf32, #tpu.memory_space<vmem>>) offsets(%dma_start3A_233 : memref<64xi32, #tpu.memory_space<vmem>>) semaphore(%arg18 : memref<!tpu.dma_semaphore, #tpu.memory_space<semaphore_mem>>)
        } else {
        }
        %dma_wait3A_153 = arith.constant 0 : i32
        %dma_wait3A_154 = tpu.memref_slice %arg8[%add3A_81, %dma_wait3A_153] : memref<40x64xi32, #tpu.memory_space<vmem>> -> memref<1x64xi32, #tpu.memory_space<vmem>>
        %dma_wait3A_155 = tpu.memref_squeeze %dma_wait3A_154 : memref<1x64xi32, #tpu.memory_space<vmem>> -> memref<64xi32, #tpu.memory_space<vmem>>
        %dma_wait3A_156 = arith.constant 0 : i32
        %dma_wait3A_157 = arith.constant 0 : i32
        %dma_wait3A_158 = tpu.memref_slice %arg2[%dma_wait3A_156, %dma_wait3A_157] : memref<10000x128xf32, #tpu.memory_space<hbm>> -> memref<10000x128xf32, #tpu.memory_space<hbm>>
        tpu.wait_indirect_dma semaphore(%arg19 : memref<!tpu.dma_semaphore, #tpu.memory_space<semaphore_mem>>) src(%dma_wait3A_158 : memref<10000x128xf32, #tpu.memory_space<hbm>>) dst(%arg13 : memref<64x128xf32, #tpu.memory_space<vmem>>)
        %get3A_159 = arith.index_cast %add3A_81 : i32 to index
        %get3A_160 = arith.constant 0 : index
        %get3A_161 = tpu.vector_load %arg8[%get3A_159, %get3A_160] {strides = array<i32>} : memref<40x64xi32, #tpu.memory_space<vmem>>, vector<16xi32>,
        %get3A_162 = arith.index_cast %add3A_81 : i32 to index
        %get3A_163 = arith.constant 0 : index
        %get3A_164 = tpu.vector_load %arg9[%get3A_162, %get3A_163] {strides = array<i32>} : memref<40x64xi32, #tpu.memory_space<vmem>>, vector<16xi32>,
        %gather3A_165 = tpu.vector_load_idx %arg11[%get3A_161] : memref<10240xf32, #tpu.memory_space<vmem>>[vector<16xi32>], vector<16xf32>,
        %gather3A_166 = tpu.vector_load_idx %arg11[%get3A_164] : memref<10240xf32, #tpu.memory_space<vmem>>[vector<16xi32>], vector<16xf32>,
        %get3A_167 = arith.index_cast %add3A_81 : i32 to index
        %get3A_168 = arith.constant 0 : index
        %get3A_169 = tpu.vector_load %arg10[%get3A_167, %get3A_168] {strides = array<i32>} : memref<40x64xf32, #tpu.memory_space<vmem>>, vector<16xf32>,
        %mul3A_170 = arith.mulf %gather3A_165, %get3A_169 : vector<16xf32>
        %mul3A_171 = arith.mulf %mul3A_170, %gather3A_166 : vector<16xf32>
        %swap3A_172 = arith.constant 0 : index
        %swap3A_173 = tpu.vector_load %arg14[%swap3A_172] {strides = array<i32>} : memref<64xf32, #tpu.memory_space<vmem>>, vector<16xf32>,
        tpu.vector_store %arg14[%swap3A_172], %mul3A_171 {strides = array<i32>} : memref<64xf32, #tpu.memory_space<vmem>>, vector<16xf32>,
        %get3A_174 = arith.index_cast %add3A_81 : i32 to index
        %get3A_175 = arith.constant 16 : index
        %get3A_176 = tpu.vector_load %arg8[%get3A_174, %get3A_175] {strides = array<i32>} : memref<40x64xi32, #tpu.memory_space<vmem>>, vector<16xi32>,
        %get3A_177 = arith.index_cast %add3A_81 : i32 to index
        %get3A_178 = arith.constant 16 : index
        %get3A_179 = tpu.vector_load %arg9[%get3A_177, %get3A_178] {strides = array<i32>} : memref<40x64xi32, #tpu.memory_space<vmem>>, vector<16xi32>,
        %gather3A_180 = tpu.vector_load_idx %arg11[%get3A_176] : memref<10240xf32, #tpu.memory_space<vmem>>[vector<16xi32>], vector<16xf32>,
        %gather3A_181 = tpu.vector_load_idx %arg11[%get3A_179] : memref<10240xf32, #tpu.memory_space<vmem>>[vector<16xi32>], vector<16xf32>,
        %get3A_182 = arith.index_cast %add3A_81 : i32 to index
        %get3A_183 = arith.constant 16 : index
        %get3A_184 = tpu.vector_load %arg10[%get3A_182, %get3A_183] {strides = array<i32>} : memref<40x64xf32, #tpu.memory_space<vmem>>, vector<16xf32>,
        %mul3A_185 = arith.mulf %gather3A_180, %get3A_184 : vector<16xf32>
        %mul3A_186 = arith.mulf %mul3A_185, %gather3A_181 : vector<16xf32>
        %swap3A_187 = arith.constant 16 : index
        %swap3A_188 = tpu.vector_load %arg14[%swap3A_187] {strides = array<i32>} : memref<64xf32, #tpu.memory_space<vmem>>, vector<16xf32>,
        tpu.vector_store %arg14[%swap3A_187], %mul3A_186 {strides = array<i32>} : memref<64xf32, #tpu.memory_space<vmem>>, vector<16xf32>,
        %get3A_189 = arith.index_cast %add3A_81 : i32 to index
        %get3A_190 = arith.constant 32 : index
        %get3A_191 = tpu.vector_load %arg8[%get3A_189, %get3A_190] {strides = array<i32>} : memref<40x64xi32, #tpu.memory_space<vmem>>, vector<16xi32>,
        %get3A_192 = arith.index_cast %add3A_81 : i32 to index
        %get3A_193 = arith.constant 32 : index
        %get3A_194 = tpu.vector_load %arg9[%get3A_192, %get3A_193] {strides = array<i32>} : memref<40x64xi32, #tpu.memory_space<vmem>>, vector<16xi32>,
        %gather3A_195 = tpu.vector_load_idx %arg11[%get3A_191] : memref<10240xf32, #tpu.memory_space<vmem>>[vector<16xi32>], vector<16xf32>,
        %gather3A_196 = tpu.vector_load_idx %arg11[%get3A_194] : memref<10240xf32, #tpu.memory_space<vmem>>[vector<16xi32>], vector<16xf32>,
        %get3A_197 = arith.index_cast %add3A_81 : i32 to index
        %get3A_198 = arith.constant 32 : index
        %get3A_199 = tpu.vector_load %arg10[%get3A_197, %get3A_198] {strides = array<i32>} : memref<40x64xf32, #tpu.memory_space<vmem>>, vector<16xf32>,
        %mul3A_200 = arith.mulf %gather3A_195, %get3A_199 : vector<16xf32>
        %mul3A_201 = arith.mulf %mul3A_200, %gather3A_196 : vector<16xf32>
        %swap3A_202 = arith.constant 32 : index
        %swap3A_203 = tpu.vector_load %arg14[%swap3A_202] {strides = array<i32>} : memref<64xf32, #tpu.memory_space<vmem>>, vector<16xf32>,
        tpu.vector_store %arg14[%swap3A_202], %mul3A_201 {strides = array<i32>} : memref<64xf32, #tpu.memory_space<vmem>>, vector<16xf32>,
        %get3A_204 = arith.index_cast %add3A_81 : i32 to index
        %get3A_205 = arith.constant 48 : index
        %get3A_206 = tpu.vector_load %arg8[%get3A_204, %get3A_205] {strides = array<i32>} : memref<40x64xi32, #tpu.memory_space<vmem>>, vector<16xi32>,
        %get3A_207 = arith.index_cast %add3A_81 : i32 to index
        %get3A_208 = arith.constant 48 : index
        %get3A_209 = tpu.vector_load %arg9[%get3A_207, %get3A_208] {strides = array<i32>} : memref<40x64xi32, #tpu.memory_space<vmem>>, vector<16xi32>,
        %gather3A_210 = tpu.vector_load_idx %arg11[%get3A_206] : memref<10240xf32, #tpu.memory_space<vmem>>[vector<16xi32>], vector<16xf32>,
        %gather3A_211 = tpu.vector_load_idx %arg11[%get3A_209] : memref<10240xf32, #tpu.memory_space<vmem>>[vector<16xi32>], vector<16xf32>,
        %get3A_212 = arith.index_cast %add3A_81 : i32 to index
        %get3A_213 = arith.constant 48 : index
        %get3A_214 = tpu.vector_load %arg10[%get3A_212, %get3A_213] {strides = array<i32>} : memref<40x64xf32, #tpu.memory_space<vmem>>, vector<16xf32>,
        %mul3A_215 = arith.mulf %gather3A_210, %get3A_214 : vector<16xf32>
        %mul3A_216 = arith.mulf %mul3A_215, %gather3A_211 : vector<16xf32>
        %swap3A_217 = arith.constant 48 : index
        %swap3A_218 = tpu.vector_load %arg14[%swap3A_217] {strides = array<i32>} : memref<64xf32, #tpu.memory_space<vmem>>, vector<16xf32>,
        tpu.vector_store %arg14[%swap3A_217], %mul3A_216 {strides = array<i32>} : memref<64xf32, #tpu.memory_space<vmem>>, vector<16xf32>,
        %scan3A_219 = arith.constant 0 : i32
        %scan3A_220 = arith.constant 32 : i32
        %scan3A_221 = arith.addi %scan3A_219, %scan3A_220 : i32
        %scan3A_222 = arith.constant 1 : i32
        scf.for %scan3A_229 = %scan3A_219 to %scan3A_221 step %scan3A_222  : i32 {
          %mul3A_230 = arith.constant 2 : i32
          %mul3A_231 = arith.muli %scan3A_229, %mul3A_230 : i32
          %add3A_232 = arith.constant 0 : i32
          %add3A_233 = arith.addi %mul3A_231, %add3A_232 : i32
          %broadcast_in_dim3A = vector.broadcast %add3A_233 : i32 to vector<16xi32>
          %gather3A_234 = tpu.vector_load_idx %arg14[%broadcast_in_dim3A] : memref<64xf32, #tpu.memory_space<vmem>>[vector<16xi32>], vector<16xf32>,
          %get3A_235 = arith.index_cast %add3A_233 : i32 to index
          %get3A_236 = arith.constant 0 : index
          %get3A_237 = tpu.vector_load %arg13[%get3A_235, %get3A_236] {strides = array<i32>} : memref<64x128xf32, #tpu.memory_space<vmem>>, vector<16xf32>,
          %mul3A_238 = arith.mulf %get3A_237, %gather3A_234 : vector<16xf32>
          %swap3A_239 = arith.index_cast %add3A_233 : i32 to index
          %swap3A_240 = arith.constant 0 : index
          %swap3A_241 = tpu.vector_load %arg13[%swap3A_239, %swap3A_240] {strides = array<i32>} : memref<64x128xf32, #tpu.memory_space<vmem>>, vector<16xf32>,
          tpu.vector_store %arg13[%swap3A_239, %swap3A_240], %mul3A_238 {strides = array<i32>} : memref<64x128xf32, #tpu.memory_space<vmem>>, vector<16xf32>,
          %get3A_242 = arith.index_cast %add3A_233 : i32 to index
          %get3A_243 = arith.constant 16 : index
          %get3A_244 = tpu.vector_load %arg13[%get3A_242, %get3A_243] {strides = array<i32>} : memref<64x128xf32, #tpu.memory_space<vmem>>, vector<16xf32>,
          %mul3A_245 = arith.mulf %get3A_244, %gather3A_234 : vector<16xf32>
          %swap3A_246 = arith.index_cast %add3A_233 : i32 to index
          %swap3A_247 = arith.constant 16 : index
          %swap3A_248 = tpu.vector_load %arg13[%swap3A_246, %swap3A_247] {strides = array<i32>} : memref<64x128xf32, #tpu.memory_space<vmem>>, vector<16xf32>,
          tpu.vector_store %arg13[%swap3A_246, %swap3A_247], %mul3A_245 {strides = array<i32>} : memref<64x128xf32, #tpu.memory_space<vmem>>, vector<16xf32>,
          %get3A_249 = arith.index_cast %add3A_233 : i32 to index
          %get3A_250 = arith.constant 32 : index
          %get3A_251 = tpu.vector_load %arg13[%get3A_249, %get3A_250] {strides = array<i32>} : memref<64x128xf32, #tpu.memory_space<vmem>>, vector<16xf32>,
          %mul3A_252 = arith.mulf %get3A_251, %gather3A_234 : vector<16xf32>
          %swap3A_253 = arith.index_cast %add3A_233 : i32 to index
          %swap3A_254 = arith.constant 32 : index
          %swap3A_255 = tpu.vector_load %arg13[%swap3A_253, %swap3A_254] {strides = array<i32>} : memref<64x128xf32, #tpu.memory_space<vmem>>, vector<16xf32>,
          tpu.vector_store %arg13[%swap3A_253, %swap3A_254], %mul3A_252 {strides = array<i32>} : memref<64x128xf32, #tpu.memory_space<vmem>>, vector<16xf32>,
          %get3A_256 = arith.index_cast %add3A_233 : i32 to index
          %get3A_257 = arith.constant 48 : index
          %get3A_258 = tpu.vector_load %arg13[%get3A_256, %get3A_257] {strides = array<i32>} : memref<64x128xf32, #tpu.memory_space<vmem>>, vector<16xf32>,
          %mul3A_259 = arith.mulf %get3A_258, %gather3A_234 : vector<16xf32>
          %swap3A_260 = arith.index_cast %add3A_233 : i32 to index
          %swap3A_261 = arith.constant 48 : index
          %swap3A_262 = tpu.vector_load %arg13[%swap3A_260, %swap3A_261] {strides = array<i32>} : memref<64x128xf32, #tpu.memory_space<vmem>>, vector<16xf32>,
          tpu.vector_store %arg13[%swap3A_260, %swap3A_261], %mul3A_259 {strides = array<i32>} : memref<64x128xf32, #tpu.memory_space<vmem>>, vector<16xf32>,
          %get3A_263 = arith.index_cast %add3A_233 : i32 to index
          %get3A_264 = arith.constant 64 : index
          %get3A_265 = tpu.vector_load %arg13[%get3A_263, %get3A_264] {strides = array<i32>} : memref<64x128xf32, #tpu.memory_space<vmem>>, vector<16xf32>,
          %mul3A_266 = arith.mulf %get3A_265, %gather3A_234 : vector<16xf32>
          %swap3A_267 = arith.index_cast %add3A_233 : i32 to index
          %swap3A_268 = arith.constant 64 : index
          %swap3A_269 = tpu.vector_load %arg13[%swap3A_267, %swap3A_268] {strides = array<i32>} : memref<64x128xf32, #tpu.memory_space<vmem>>, vector<16xf32>,
          tpu.vector_store %arg13[%swap3A_267, %swap3A_268], %mul3A_266 {strides = array<i32>} : memref<64x128xf32, #tpu.memory_space<vmem>>, vector<16xf32>,
          %get3A_270 = arith.index_cast %add3A_233 : i32 to index
          %get3A_271 = arith.constant 80 : index
          %get3A_272 = tpu.vector_load %arg13[%get3A_270, %get3A_271] {strides = array<i32>} : memref<64x128xf32, #tpu.memory_space<vmem>>, vector<16xf32>,
          %mul3A_273 = arith.mulf %get3A_272, %gather3A_234 : vector<16xf32>
          %swap3A_274 = arith.index_cast %add3A_233 : i32 to index
          %swap3A_275 = arith.constant 80 : index
          %swap3A_276 = tpu.vector_load %arg13[%swap3A_274, %swap3A_275] {strides = array<i32>} : memref<64x128xf32, #tpu.memory_space<vmem>>, vector<16xf32>,
          tpu.vector_store %arg13[%swap3A_274, %swap3A_275], %mul3A_273 {strides = array<i32>} : memref<64x128xf32, #tpu.memory_space<vmem>>, vector<16xf32>,
          %get3A_277 = arith.index_cast %add3A_233 : i32 to index
          %get3A_278 = arith.constant 96 : index
          %get3A_279 = tpu.vector_load %arg13[%get3A_277, %get3A_278] {strides = array<i32>} : memref<64x128xf32, #tpu.memory_space<vmem>>, vector<16xf32>,
          %mul3A_280 = arith.mulf %get3A_279, %gather3A_234 : vector<16xf32>
          %swap3A_281 = arith.index_cast %add3A_233 : i32 to index
          %swap3A_282 = arith.constant 96 : index
          %swap3A_283 = tpu.vector_load %arg13[%swap3A_281, %swap3A_282] {strides = array<i32>} : memref<64x128xf32, #tpu.memory_space<vmem>>, vector<16xf32>,
          tpu.vector_store %arg13[%swap3A_281, %swap3A_282], %mul3A_280 {strides = array<i32>} : memref<64x128xf32, #tpu.memory_space<vmem>>, vector<16xf32>,
          %get3A_284 = arith.index_cast %add3A_233 : i32 to index
          %get3A_285 = arith.constant 112 : index
          %get3A_286 = tpu.vector_load %arg13[%get3A_284, %get3A_285] {strides = array<i32>} : memref<64x128xf32, #tpu.memory_space<vmem>>, vector<16xf32>,
          %mul3A_287 = arith.mulf %get3A_286, %gather3A_234 : vector<16xf32>
          %swap3A_288 = arith.index_cast %add3A_233 : i32 to index
          %swap3A_289 = arith.constant 112 : index
          %swap3A_290 = tpu.vector_load %arg13[%swap3A_288, %swap3A_289] {strides = array<i32>} : memref<64x128xf32, #tpu.memory_space<vmem>>, vector<16xf32>,
          tpu.vector_store %arg13[%swap3A_288, %swap3A_289], %mul3A_287 {strides = array<i32>} : memref<64x128xf32, #tpu.memory_space<vmem>>, vector<16xf32>,
          %mul3A_291 = arith.constant 2 : i32
          %mul3A_292 = arith.muli %scan3A_229, %mul3A_291 : i32
          %add3A_293 = arith.constant 1 : i32
          %add3A_294 = arith.addi %mul3A_292, %add3A_293 : i32
          %broadcast_in_dim3A_295 = vector.broadcast %add3A_294 : i32 to vector<16xi32>
          %gather3A_296 = tpu.vector_load_idx %arg14[%broadcast_in_dim3A_295] : memref<64xf32, #tpu.memory_space<vmem>>[vector<16xi32>], vector<16xf32>,
          %get3A_297 = arith.index_cast %add3A_294 : i32 to index
          %get3A_298 = arith.constant 0 : index
          %get3A_299 = tpu.vector_load %arg13[%get3A_297, %get3A_298] {strides = array<i32>} : memref<64x128xf32, #tpu.memory_space<vmem>>, vector<16xf32>,
          %mul3A_300 = arith.mulf %get3A_299, %gather3A_296 : vector<16xf32>
          %swap3A_301 = arith.index_cast %add3A_294 : i32 to index
          %swap3A_302 = arith.constant 0 : index
          %swap3A_303 = tpu.vector_load %arg13[%swap3A_301, %swap3A_302] {strides = array<i32>} : memref<64x128xf32, #tpu.memory_space<vmem>>, vector<16xf32>,
          tpu.vector_store %arg13[%swap3A_301, %swap3A_302], %mul3A_300 {strides = array<i32>} : memref<64x128xf32, #tpu.memory_space<vmem>>, vector<16xf32>,
          %get3A_304 = arith.index_cast %add3A_294 : i32 to index
          %get3A_305 = arith.constant 16 : index
          %get3A_306 = tpu.vector_load %arg13[%get3A_304, %get3A_305] {strides = array<i32>} : memref<64x128xf32, #tpu.memory_space<vmem>>, vector<16xf32>,
          %mul3A_307 = arith.mulf %get3A_306, %gather3A_296 : vector<16xf32>
          %swap3A_308 = arith.index_cast %add3A_294 : i32 to index
          %swap3A_309 = arith.constant 16 : index
          %swap3A_310 = tpu.vector_load %arg13[%swap3A_308, %swap3A_309] {strides = array<i32>} : memref<64x128xf32, #tpu.memory_space<vmem>>, vector<16xf32>,
          tpu.vector_store %arg13[%swap3A_308, %swap3A_309], %mul3A_307 {strides = array<i32>} : memref<64x128xf32, #tpu.memory_space<vmem>>, vector<16xf32>,
          %get3A_311 = arith.index_cast %add3A_294 : i32 to index
          %get3A_312 = arith.constant 32 : index
          %get3A_313 = tpu.vector_load %arg13[%get3A_311, %get3A_312] {strides = array<i32>} : memref<64x128xf32, #tpu.memory_space<vmem>>, vector<16xf32>,
          %mul3A_314 = arith.mulf %get3A_313, %gather3A_296 : vector<16xf32>
          %swap3A_315 = arith.index_cast %add3A_294 : i32 to index
          %swap3A_316 = arith.constant 32 : index
          %swap3A_317 = tpu.vector_load %arg13[%swap3A_315, %swap3A_316] {strides = array<i32>} : memref<64x128xf32, #tpu.memory_space<vmem>>, vector<16xf32>,
          tpu.vector_store %arg13[%swap3A_315, %swap3A_316], %mul3A_314 {strides = array<i32>} : memref<64x128xf32, #tpu.memory_space<vmem>>, vector<16xf32>,
          %get3A_318 = arith.index_cast %add3A_294 : i32 to index
          %get3A_319 = arith.constant 48 : index
          %get3A_320 = tpu.vector_load %arg13[%get3A_318, %get3A_319] {strides = array<i32>} : memref<64x128xf32, #tpu.memory_space<vmem>>, vector<16xf32>,
          %mul3A_321 = arith.mulf %get3A_320, %gather3A_296 : vector<16xf32>
          %swap3A_322 = arith.index_cast %add3A_294 : i32 to index
          %swap3A_323 = arith.constant 48 : index
          %swap3A_324 = tpu.vector_load %arg13[%swap3A_322, %swap3A_323] {strides = array<i32>} : memref<64x128xf32, #tpu.memory_space<vmem>>, vector<16xf32>,
          tpu.vector_store %arg13[%swap3A_322, %swap3A_323], %mul3A_321 {strides = array<i32>} : memref<64x128xf32, #tpu.memory_space<vmem>>, vector<16xf32>,
          %get3A_325 = arith.index_cast %add3A_294 : i32 to index
          %get3A_326 = arith.constant 64 : index
          %get3A_327 = tpu.vector_load %arg13[%get3A_325, %get3A_326] {strides = array<i32>} : memref<64x128xf32, #tpu.memory_space<vmem>>, vector<16xf32>,
          %mul3A_328 = arith.mulf %get3A_327, %gather3A_296 : vector<16xf32>
          %swap3A_329 = arith.index_cast %add3A_294 : i32 to index
          %swap3A_330 = arith.constant 64 : index
          %swap3A_331 = tpu.vector_load %arg13[%swap3A_329, %swap3A_330] {strides = array<i32>} : memref<64x128xf32, #tpu.memory_space<vmem>>, vector<16xf32>,
          tpu.vector_store %arg13[%swap3A_329, %swap3A_330], %mul3A_328 {strides = array<i32>} : memref<64x128xf32, #tpu.memory_space<vmem>>, vector<16xf32>,
          %get3A_332 = arith.index_cast %add3A_294 : i32 to index
          %get3A_333 = arith.constant 80 : index
          %get3A_334 = tpu.vector_load %arg13[%get3A_332, %get3A_333] {strides = array<i32>} : memref<64x128xf32, #tpu.memory_space<vmem>>, vector<16xf32>,
          %mul3A_335 = arith.mulf %get3A_334, %gather3A_296 : vector<16xf32>
          %swap3A_336 = arith.index_cast %add3A_294 : i32 to index
          %swap3A_337 = arith.constant 80 : index
          %swap3A_338 = tpu.vector_load %arg13[%swap3A_336, %swap3A_337] {strides = array<i32>} : memref<64x128xf32, #tpu.memory_space<vmem>>, vector<16xf32>,
          tpu.vector_store %arg13[%swap3A_336, %swap3A_337], %mul3A_335 {strides = array<i32>} : memref<64x128xf32, #tpu.memory_space<vmem>>, vector<16xf32>,
          %get3A_339 = arith.index_cast %add3A_294 : i32 to index
          %get3A_340 = arith.constant 96 : index
          %get3A_341 = tpu.vector_load %arg13[%get3A_339, %get3A_340] {strides = array<i32>} : memref<64x128xf32, #tpu.memory_space<vmem>>, vector<16xf32>,
          %mul3A_342 = arith.mulf %get3A_341, %gather3A_296 : vector<16xf32>
          %swap3A_343 = arith.index_cast %add3A_294 : i32 to index
          %swap3A_344 = arith.constant 96 : index
          %swap3A_345 = tpu.vector_load %arg13[%swap3A_343, %swap3A_344] {strides = array<i32>} : memref<64x128xf32, #tpu.memory_space<vmem>>, vector<16xf32>,
          tpu.vector_store %arg13[%swap3A_343, %swap3A_344], %mul3A_342 {strides = array<i32>} : memref<64x128xf32, #tpu.memory_space<vmem>>, vector<16xf32>,
          %get3A_346 = arith.index_cast %add3A_294 : i32 to index
          %get3A_347 = arith.constant 112 : index
          %get3A_348 = tpu.vector_load %arg13[%get3A_346, %get3A_347] {strides = array<i32>} : memref<64x128xf32, #tpu.memory_space<vmem>>, vector<16xf32>,
          %mul3A_349 = arith.mulf %get3A_348, %gather3A_296 : vector<16xf32>
          %swap3A_350 = arith.index_cast %add3A_294 : i32 to index
          %swap3A_351 = arith.constant 112 : index
          %swap3A_352 = tpu.vector_load %arg13[%swap3A_350, %swap3A_351] {strides = array<i32>} : memref<64x128xf32, #tpu.memory_space<vmem>>, vector<16xf32>,
          tpu.vector_store %arg13[%swap3A_350, %swap3A_351], %mul3A_349 {strides = array<i32>} : memref<64x128xf32, #tpu.memory_space<vmem>>, vector<16xf32>,
        }
        %scan3A_223 = arith.constant 32 : i32
        "tpu.region"() ({
          %run_scoped3A = tpu.sem_alloc : memref<!tpu.dma_semaphore, #tpu.memory_space<semaphore_mem>>
          %dma_start3A_229 = arith.constant 0 : i32
          %dma_start3A_230 = tpu.memref_slice %arg9[%add3A_81, %dma_start3A_229] : memref<40x64xi32, #tpu.memory_space<vmem>> -> memref<1x64xi32, #tpu.memory_space<vmem>>
          %dma_start3A_231 = tpu.memref_squeeze %dma_start3A_230 : memref<1x64xi32, #tpu.memory_space<vmem>> -> memref<64xi32, #tpu.memory_space<vmem>>
          %dma_start3A_232 = arith.constant 0 : i32
          %dma_start3A_233 = arith.constant 0 : i32
          %dma_start3A_234 = tpu.memref_slice %arg16[%dma_start3A_232, %dma_start3A_233] : memref<10240x128xf32, #tpu.memory_space<vmem_shared>> -> memref<10240x128xf32, #tpu.memory_space<vmem_shared>>
          tpu.enqueue_indirect_dma source(%arg13 : memref<64x128xf32, #tpu.memory_space<vmem>>) target(%dma_start3A_234 : memref<10240x128xf32, #tpu.memory_space<vmem_shared>>) offsets(%dma_start3A_231 : memref<64xi32, #tpu.memory_space<vmem>>) semaphore(%run_scoped3A : memref<!tpu.dma_semaphore, #tpu.memory_space<semaphore_mem>>) {add = true}
          %dma_wait3A_235 = arith.constant 0 : i32
          %dma_wait3A_236 = tpu.memref_slice %arg9[%add3A_81, %dma_wait3A_235] : memref<40x64xi32, #tpu.memory_space<vmem>> -> memref<1x64xi32, #tpu.memory_space<vmem>>
          %dma_wait3A_237 = tpu.memref_squeeze %dma_wait3A_236 : memref<1x64xi32, #tpu.memory_space<vmem>> -> memref<64xi32, #tpu.memory_space<vmem>>
          %dma_wait3A_238 = arith.constant 0 : i32
          %dma_wait3A_239 = arith.constant 0 : i32
          %dma_wait3A_240 = tpu.memref_slice %arg16[%dma_wait3A_238, %dma_wait3A_239] : memref<10240x128xf32, #tpu.memory_space<vmem_shared>> -> memref<10240x128xf32, #tpu.memory_space<vmem_shared>>
          tpu.wait_indirect_dma semaphore(%run_scoped3A : memref<!tpu.dma_semaphore, #tpu.memory_space<semaphore_mem>>) src(%arg13 : memref<64x128xf32, #tpu.memory_space<vmem>>) dst(%dma_wait3A_240 : memref<10240x128xf32, #tpu.memory_space<vmem_shared>>)
          tpu.yield
        }) : () -> ()
        %lt3A_224 = arith.constant 19 : i32
        %lt3A_225 = arith.cmpi slt, %scan3A_77, %lt3A_224 : i32
        %convert_element_type3A_226 = arith.extui %lt3A_225 : i1 to i32
        %cond3A_227 = arith.constant 0 : i32
        %cond3A_228 = arith.cmpi ne, %convert_element_type3A_226, %cond3A_227 : i32
        scf.if %cond3A_228 {
          %add3A_229 = arith.constant 2 : i32
          %add3A_230 = arith.addi %add3A_81, %add3A_229 : i32
          %dma_start3A_231 = arith.constant 0 : i32
          %dma_start3A_232 = tpu.memref_slice %arg8[%add3A_230, %dma_start3A_231] : memref<40x64xi32, #tpu.memory_space<vmem>> -> memref<1x64xi32, #tpu.memory_space<vmem>>
          %dma_start3A_233 = tpu.memref_squeeze %dma_start3A_232 : memref<1x64xi32, #tpu.memory_space<vmem>> -> memref<64xi32, #tpu.memory_space<vmem>>
          %dma_start3A_234 = arith.constant 0 : i32
          %dma_start3A_235 = arith.constant 0 : i32
          %dma_start3A_236 = tpu.memref_slice %arg2[%dma_start3A_234, %dma_start3A_235] : memref<10000x128xf32, #tpu.memory_space<hbm>> -> memref<10000x128xf32, #tpu.memory_space<hbm>>
          tpu.enqueue_indirect_dma source(%dma_start3A_236 : memref<10000x128xf32, #tpu.memory_space<hbm>>) target(%arg13 : memref<64x128xf32, #tpu.memory_space<vmem>>) offsets(%dma_start3A_233 : memref<64xi32, #tpu.memory_space<vmem>>) semaphore(%arg19 : memref<!tpu.dma_semaphore, #tpu.memory_space<semaphore_mem>>)
        } else {
        }
      }
      %scan3A_76 = arith.constant 20 : i32
    }
    %scan3A_50 = arith.constant 4 : i32
    %barrier3A_51 = arith.constant 0 : index
    tpu.barrier barrier_id(%barrier3A_51)
    "tpu.region"() ({
      %run_scoped3A = tpu.sem_alloc : memref<!tpu.dma_semaphore, #tpu.memory_space<semaphore_mem>>
      %dma_start3A = arith.constant 0 : i32
      %dma_start3A_52 = tpu.memref_slice %arg6[%arg0, %mul3A_2, %dma_start3A] : memref<2x10240x128xf32, #tpu.memory_space<hbm>> -> memref<1x640x128xf32, #tpu.memory_space<hbm>>
      %dma_start3A_53 = tpu.memref_squeeze %dma_start3A_52 : memref<1x640x128xf32, #tpu.memory_space<hbm>> -> memref<640x128xf32, #tpu.memory_space<hbm>>
      %dma_start3A_54 = arith.constant 0 : i32
      %dma_start3A_55 = tpu.memref_slice %arg16[%mul3A_2, %dma_start3A_54] : memref<10240x128xf32, #tpu.memory_space<vmem_shared>> -> memref<640x128xf32, #tpu.memory_space<vmem_shared>>
      tpu.enqueue_dma source(%dma_start3A_55 : memref<640x128xf32, #tpu.memory_space<vmem_shared>>) target(%dma_start3A_53 : memref<640x128xf32, #tpu.memory_space<hbm>>) target_semaphore(%run_scoped3A : memref<!tpu.dma_semaphore, #tpu.memory_space<semaphore_mem>>)
      %dma_wait3A = arith.constant 0 : i32
      %dma_wait3A_56 = tpu.memref_slice %arg6[%arg0, %mul3A_2, %dma_wait3A] : memref<2x10240x128xf32, #tpu.memory_space<hbm>> -> memref<1x640x128xf32, #tpu.memory_space<hbm>>
      %dma_wait3A_57 = tpu.memref_squeeze %dma_wait3A_56 : memref<1x640x128xf32, #tpu.memory_space<hbm>> -> memref<640x128xf32, #tpu.memory_space<hbm>>
      %dma_wait3A_58 = arith.constant 0 : i32
      %dma_wait3A_59 = tpu.memref_slice %arg16[%mul3A_2, %dma_wait3A_58] : memref<10240x128xf32, #tpu.memory_space<vmem_shared>> -> memref<640x128xf32, #tpu.memory_space<vmem_shared>>
      tpu.wait_dma2 semaphore(%run_scoped3A : memref<!tpu.dma_semaphore, #tpu.memory_space<semaphore_mem>>) src(%dma_wait3A_59 : memref<640x128xf32, #tpu.memory_space<vmem_shared>>) dst(%dma_wait3A_57 : memref<640x128xf32, #tpu.memory_space<hbm>>)
      tpu.yield
    }) : () -> ()
    return
  }
}

module attributes {stable_mosaic.version = 14 : i64} {
  func.func @_dense_body(%arg0: i32, %arg1: memref<1280x128xf32, #tpu.memory_space<vmem>>, %arg2: memref<1280x128xf32, #tpu.memory_space<vmem>>, %arg3: memref<1280x128xf32, #tpu.memory_space<vmem>>, %arg4: memref<1280x1xf32, #tpu.memory_space<vmem>>, %arg5: memref<128x128xf32, #tpu.memory_space<vmem>>, %arg6: memref<1x128xf32, #tpu.memory_space<vmem>>, %arg7: memref<128x128xf32, #tpu.memory_space<vmem>>, %arg8: memref<1x128xf32, #tpu.memory_space<vmem>>, %arg9: memref<128x128xf32, #tpu.memory_space<vmem>>, %arg10: memref<1x128xf32, #tpu.memory_space<vmem>>, %arg11: memref<128x128xf32, #tpu.memory_space<vmem>>, %arg12: memref<1x128xf32, #tpu.memory_space<vmem>>, %arg13: memref<128x1xf32, #tpu.memory_space<vmem>>, %arg14: memref<1x1xf32, #tpu.memory_space<vmem>>, %arg15: memref<1280x1xf32, #tpu.memory_space<vmem>>) attributes {dimension_semantics = [#tpu.dimension_semantics<arbitrary>], iteration_bounds = array<i64: 8>, scalar_prefetch = 0 : i64, scratch_operands = 0 : i64, tpu.core_type = #tpu.core_type<tc>, window_params = [{transform_indices = @transform_0, window_bounds = array<i64: 1280, 128>}, {transform_indices = @transform_1, window_bounds = array<i64: 1280, 128>}, {transform_indices = @transform_2, window_bounds = array<i64: 1280, 128>}, {transform_indices = @transform_3, window_bounds = array<i64: 1280, 1>}, {pipeline_mode = #tpu.pipeline_mode<synchronous>, transform_indices = @transform_4, window_bounds = array<i64: 128, 128>}, {pipeline_mode = #tpu.pipeline_mode<synchronous>, transform_indices = @transform_5, window_bounds = array<i64: 1, 128>}, {pipeline_mode = #tpu.pipeline_mode<synchronous>, transform_indices = @transform_6, window_bounds = array<i64: 128, 128>}, {pipeline_mode = #tpu.pipeline_mode<synchronous>, transform_indices = @transform_7, window_bounds = array<i64: 1, 128>}, {pipeline_mode = #tpu.pipeline_mode<synchronous>, transform_indices = @transform_8, window_bounds = array<i64: 128, 128>}, {pipeline_mode = #tpu.pipeline_mode<synchronous>, transform_indices = @transform_9, window_bounds = array<i64: 1, 128>}, {pipeline_mode = #tpu.pipeline_mode<synchronous>, transform_indices = @transform_10, window_bounds = array<i64: 128, 128>}, {pipeline_mode = #tpu.pipeline_mode<synchronous>, transform_indices = @transform_11, window_bounds = array<i64: 1, 128>}, {pipeline_mode = #tpu.pipeline_mode<synchronous>, transform_indices = @transform_12, window_bounds = array<i64: 128, 1>}, {pipeline_mode = #tpu.pipeline_mode<synchronous>, transform_indices = @transform_13, window_bounds = array<i64: 1, 1>}, {transform_indices = @transform_14, window_bounds = array<i64: 1280, 1>}]} {
    %get3A = arith.constant 0 : index
    %get3A_0 = arith.constant 0 : index
    %get3A_1 = vector.load %arg4[%get3A, %get3A_0] : memref<1280x1xf32, #tpu.memory_space<vmem>>, vector<1280x1xf32>
    %get3A_2 = arith.constant 0 : index
    %get3A_3 = arith.constant 0 : index
    %get3A_4 = vector.load %arg2[%get3A_2, %get3A_3] : memref<1280x128xf32, #tpu.memory_space<vmem>>, vector<1280x128xf32>
    %get3A_5 = arith.constant 0 : index
    %get3A_6 = arith.constant 0 : index
    %get3A_7 = vector.load %arg3[%get3A_5, %get3A_6] : memref<1280x128xf32, #tpu.memory_space<vmem>>, vector<1280x128xf32>
    %add3A = arith.addf %get3A_4, %get3A_7 : vector<1280x128xf32>
    %mul3A = arith.mulf %get3A_1, %get3A_1 : vector<1280x1xf32>
    %get3A_8 = arith.constant 0 : index
    %get3A_9 = arith.constant 0 : index
    %get3A_10 = vector.load %arg1[%get3A_8, %get3A_9] : memref<1280x128xf32, #tpu.memory_space<vmem>>, vector<1280x128xf32>
    %mul3A_11 = vector.broadcast %mul3A : vector<1280x1xf32> to vector<1280x128xf32>
    %mul3A_12 = arith.mulf %mul3A_11, %get3A_10 : vector<1280x128xf32>
    %add3A_13 = arith.addf %add3A, %mul3A_12 : vector<1280x128xf32>
    %get3A_14 = arith.constant 0 : index
    %get3A_15 = arith.constant 0 : index
    %get3A_16 = vector.load %arg5[%get3A_14, %get3A_15] : memref<128x128xf32, #tpu.memory_space<vmem>>, vector<128x128xf32>
    %get3A_17 = arith.constant 0 : index
    %get3A_18 = arith.constant 0 : index
    %get3A_19 = vector.load %arg9[%get3A_17, %get3A_18] : memref<128x128xf32, #tpu.memory_space<vmem>>, vector<128x128xf32>
    %dot_general3A = arith.constant dense<0.000000e+00> : vector<128x128xf32>
    %dot_general3A_20 = tpu.matmul %get3A_16, %get3A_19, %dot_general3A {dimension_numbers = #tpu.dot_dimension_numbers<[1], [0], [0], [1], [0, 0, 1, 1], [], []>, transpose_lhs_hint = false} : vector<128x128xf32>, vector<128x128xf32>, vector<128x128xf32> -> vector<128x128xf32>
    %get3A_21 = arith.constant 0 : index
    %get3A_22 = arith.constant 0 : index
    %get3A_23 = vector.load %arg6[%get3A_21, %get3A_22] : memref<1x128xf32, #tpu.memory_space<vmem>>, vector<1x128xf32>
    %get3A_24 = arith.constant 0 : index
    %get3A_25 = arith.constant 0 : index
    %get3A_26 = vector.load %arg9[%get3A_24, %get3A_25] : memref<128x128xf32, #tpu.memory_space<vmem>>, vector<128x128xf32>
    %dot_general3A_27 = arith.constant dense<0.000000e+00> : vector<1x128xf32>
    %dot_general3A_28 = tpu.matmul %get3A_23, %get3A_26, %dot_general3A_27 {dimension_numbers = #tpu.dot_dimension_numbers<[1], [0], [0], [1], [0, 0, 1, 1], [], []>, transpose_lhs_hint = false} : vector<1x128xf32>, vector<128x128xf32>, vector<1x128xf32> -> vector<1x128xf32>
    %get3A_29 = arith.constant 0 : index
    %get3A_30 = arith.constant 0 : index
    %get3A_31 = vector.load %arg10[%get3A_29, %get3A_30] : memref<1x128xf32, #tpu.memory_space<vmem>>, vector<1x128xf32>
    %add3A_32 = arith.addf %dot_general3A_28, %get3A_31 : vector<1x128xf32>
    %dot_general3A_33 = arith.constant dense<0.000000e+00> : vector<1280x128xf32>
    %dot_general3A_34 = tpu.matmul %add3A_13, %dot_general3A_20, %dot_general3A_33 {dimension_numbers = #tpu.dot_dimension_numbers<[1], [0], [0], [1], [0, 0, 1, 1], [], []>, transpose_lhs_hint = false} : vector<1280x128xf32>, vector<128x128xf32>, vector<1280x128xf32> -> vector<1280x128xf32>
    %add3A_35 = vector.broadcast %add3A_32 : vector<1x128xf32> to vector<1280x128xf32>
    %add3A_36 = arith.addf %dot_general3A_34, %add3A_35 : vector<1280x128xf32>
    %logistic3A = arith.negf %add3A_36 : vector<1280x128xf32>
    %logistic3A_37 = math.exp %logistic3A : vector<1280x128xf32>
    %logistic3A_38 = arith.constant 1.000000e+00 : f32
    %logistic3A_39 = vector.broadcast %logistic3A_38 : f32 to vector<1280x128xf32>
    %logistic3A_40 = arith.addf %logistic3A_39, %logistic3A_37 : vector<1280x128xf32>
    %logistic3A_41 = arith.divf %logistic3A_39, %logistic3A_40 : vector<1280x128xf32>
    %get3A_42 = arith.constant 0 : index
    %get3A_43 = arith.constant 0 : index
    %get3A_44 = vector.load %arg7[%get3A_42, %get3A_43] : memref<128x128xf32, #tpu.memory_space<vmem>>, vector<128x128xf32>
    %get3A_45 = arith.constant 0 : index
    %get3A_46 = arith.constant 0 : index
    %get3A_47 = vector.load %arg11[%get3A_45, %get3A_46] : memref<128x128xf32, #tpu.memory_space<vmem>>, vector<128x128xf32>
    %dot_general3A_48 = arith.constant dense<0.000000e+00> : vector<128x128xf32>
    %dot_general3A_49 = tpu.matmul %get3A_44, %get3A_47, %dot_general3A_48 {dimension_numbers = #tpu.dot_dimension_numbers<[1], [0], [0], [1], [0, 0, 1, 1], [], []>, transpose_lhs_hint = false} : vector<128x128xf32>, vector<128x128xf32>, vector<128x128xf32> -> vector<128x128xf32>
    %get3A_50 = arith.constant 0 : index
    %get3A_51 = arith.constant 0 : index
    %get3A_52 = vector.load %arg8[%get3A_50, %get3A_51] : memref<1x128xf32, #tpu.memory_space<vmem>>, vector<1x128xf32>
    %get3A_53 = arith.constant 0 : index
    %get3A_54 = arith.constant 0 : index
    %get3A_55 = vector.load %arg11[%get3A_53, %get3A_54] : memref<128x128xf32, #tpu.memory_space<vmem>>, vector<128x128xf32>
    %dot_general3A_56 = arith.constant dense<0.000000e+00> : vector<1x128xf32>
    %dot_general3A_57 = tpu.matmul %get3A_52, %get3A_55, %dot_general3A_56 {dimension_numbers = #tpu.dot_dimension_numbers<[1], [0], [0], [1], [0, 0, 1, 1], [], []>, transpose_lhs_hint = false} : vector<1x128xf32>, vector<128x128xf32>, vector<1x128xf32> -> vector<1x128xf32>
    %get3A_58 = arith.constant 0 : index
    %get3A_59 = arith.constant 0 : index
    %get3A_60 = vector.load %arg12[%get3A_58, %get3A_59] : memref<1x128xf32, #tpu.memory_space<vmem>>, vector<1x128xf32>
    %add3A_61 = arith.addf %dot_general3A_57, %get3A_60 : vector<1x128xf32>
    %dot_general3A_62 = arith.constant dense<0.000000e+00> : vector<1280x128xf32>
    %dot_general3A_63 = tpu.matmul %add3A_13, %dot_general3A_49, %dot_general3A_62 {dimension_numbers = #tpu.dot_dimension_numbers<[1], [0], [0], [1], [0, 0, 1, 1], [], []>, transpose_lhs_hint = false} : vector<1280x128xf32>, vector<128x128xf32>, vector<1280x128xf32> -> vector<1280x128xf32>
    %add3A_64 = vector.broadcast %add3A_61 : vector<1x128xf32> to vector<1280x128xf32>
    %add3A_65 = arith.addf %dot_general3A_63, %add3A_64 : vector<1280x128xf32>
    %tanh3A = math.tanh %add3A_65 : vector<1280x128xf32>
    %sub3A = arith.constant 1.000000e+00 : f32
    %sub3A_66 = vector.broadcast %sub3A : f32 to vector<1280x128xf32>
    %sub3A_67 = arith.subf %sub3A_66, %logistic3A_41 : vector<1280x128xf32>
    %mul3A_68 = arith.mulf %sub3A_67, %tanh3A : vector<1280x128xf32>
    %get3A_69 = arith.constant 0 : index
    %get3A_70 = arith.constant 0 : index
    %get3A_71 = vector.load %arg13[%get3A_69, %get3A_70] : memref<128x1xf32, #tpu.memory_space<vmem>>, vector<128x1xf32>
    %dot_general3A_72 = arith.constant dense<0.000000e+00> : vector<1280x1xf32>
    %dot_general3A_73 = tpu.matmul %mul3A_68, %get3A_71, %dot_general3A_72 {dimension_numbers = #tpu.dot_dimension_numbers<[1], [0], [0], [1], [0, 0, 1, 1], [], []>, transpose_lhs_hint = false} : vector<1280x128xf32>, vector<128x1xf32>, vector<1280x1xf32> -> vector<1280x1xf32>
    %get3A_74 = arith.constant 0 : index
    %get3A_75 = arith.constant 0 : index
    %get3A_76 = vector.load %arg14[%get3A_74, %get3A_75] : memref<1x1xf32, #tpu.memory_space<vmem>>, vector<1x1xf32>
    %add3A_77 = vector.broadcast %get3A_76 : vector<1x1xf32> to vector<1280x1xf32>
    %add3A_78 = arith.addf %dot_general3A_73, %add3A_77 : vector<1280x1xf32>
    %swap3A = arith.constant 0 : index
    %swap3A_79 = arith.constant 0 : index
    %swap3A_80 = vector.load %arg15[%swap3A, %swap3A_79] : memref<1280x1xf32, #tpu.memory_space<vmem>>, vector<1280x1xf32>
    tpu.vector_store %arg15[%swap3A, %swap3A_79], %add3A_78 {strides = array<i32>} : memref<1280x1xf32, #tpu.memory_space<vmem>>, vector<1280x1xf32>,
    return
  }
  func.func @transform_0(%arg0: i32) -> (i32, i32) {
    %c0_i32 = arith.constant 0 : i32
    %c0_i32_0 = arith.constant 0 : i32
    return %arg0, %c0_i32 : i32, i32
  }
  func.func @transform_1(%arg0: i32) -> (i32, i32) {
    %c0_i32 = arith.constant 0 : i32
    %c0_i32_0 = arith.constant 0 : i32
    return %arg0, %c0_i32 : i32, i32
  }
  func.func @transform_2(%arg0: i32) -> (i32, i32) {
    %c0_i32 = arith.constant 0 : i32
    %c0_i32_0 = arith.constant 0 : i32
    return %arg0, %c0_i32 : i32, i32
  }
  func.func @transform_3(%arg0: i32) -> (i32, i32) {
    %c0_i32 = arith.constant 0 : i32
    %c0_i32_0 = arith.constant 0 : i32
    return %arg0, %c0_i32 : i32, i32
  }
  func.func @transform_4(%arg0: i32) -> (i32, i32) {
    %c0_i32 = arith.constant 0 : i32
    %c0_i32_0 = arith.constant 0 : i32
    %c0_i32_1 = arith.constant 0 : i32
    return %c0_i32, %c0_i32_0 : i32, i32
  }
  func.func @transform_5(%arg0: i32) -> (i32, i32) {
    %c0_i32 = arith.constant 0 : i32
    %c0_i32_0 = arith.constant 0 : i32
    %c0_i32_1 = arith.constant 0 : i32
    return %c0_i32, %c0_i32_0 : i32, i32
  }
  func.func @transform_6(%arg0: i32) -> (i32, i32) {
    %c0_i32 = arith.constant 0 : i32
    %c0_i32_0 = arith.constant 0 : i32
    %c0_i32_1 = arith.constant 0 : i32
    return %c0_i32, %c0_i32_0 : i32, i32
  }
  func.func @transform_7(%arg0: i32) -> (i32, i32) {
    %c0_i32 = arith.constant 0 : i32
    %c0_i32_0 = arith.constant 0 : i32
    %c0_i32_1 = arith.constant 0 : i32
    return %c0_i32, %c0_i32_0 : i32, i32
  }
  func.func @transform_8(%arg0: i32) -> (i32, i32) {
    %c0_i32 = arith.constant 0 : i32
    %c0_i32_0 = arith.constant 0 : i32
    %c0_i32_1 = arith.constant 0 : i32
    return %c0_i32, %c0_i32_0 : i32, i32
  }
  func.func @transform_9(%arg0: i32) -> (i32, i32) {
    %c0_i32 = arith.constant 0 : i32
    %c0_i32_0 = arith.constant 0 : i32
    %c0_i32_1 = arith.constant 0 : i32
    return %c0_i32, %c0_i32_0 : i32, i32
  }
  func.func @transform_10(%arg0: i32) -> (i32, i32) {
    %c0_i32 = arith.constant 0 : i32
    %c0_i32_0 = arith.constant 0 : i32
    %c0_i32_1 = arith.constant 0 : i32
    return %c0_i32, %c0_i32_0 : i32, i32
  }
  func.func @transform_11(%arg0: i32) -> (i32, i32) {
    %c0_i32 = arith.constant 0 : i32
    %c0_i32_0 = arith.constant 0 : i32
    %c0_i32_1 = arith.constant 0 : i32
    return %c0_i32, %c0_i32_0 : i32, i32
  }
  func.func @transform_12(%arg0: i32) -> (i32, i32) {
    %c0_i32 = arith.constant 0 : i32
    %c0_i32_0 = arith.constant 0 : i32
    %c0_i32_1 = arith.constant 0 : i32
    return %c0_i32, %c0_i32_0 : i32, i32
  }
  func.func @transform_13(%arg0: i32) -> (i32, i32) {
    %c0_i32 = arith.constant 0 : i32
    %c0_i32_0 = arith.constant 0 : i32
    %c0_i32_1 = arith.constant 0 : i32
    return %c0_i32, %c0_i32_0 : i32, i32
  }
  func.func @transform_14(%arg0: i32) -> (i32, i32) {
    %c0_i32 = arith.constant 0 : i32
    %c0_i32_0 = arith.constant 0 : i32
    return %arg0, %c0_i32 : i32, i32
  }
}

</mosaic_0001>

<sc_bundles>
// kernel: kernel.4.cloned.1.call-start
scs
__scs_entry_jumppad:
0x0: {  	(pc) =	sbr.rel $0x88, $3  }
0x1: {  	(tag) =	ssettag $0x0;
	lr =	simm.s32 $0x1  }
0x2: {  	[smem:$0x3F94] =	sst lr;
	_ =	strace $0xD0000000  }
0x3: {  	_ = 	snop  }
0x4: {  	_ = 	snop  }
0x5: {  	_ = 	snop  }
0x6: {  	_ = 	snop  }
0x7: {  	_ = 	snop  }
__scs_overlays_trampoline_lowered:
0x8: {  	[smem:$0x3FA3] =	sst s0  }
0x9: {  	[smem:$0x3FA4] =	sst s1  }
0xa: {  	[smem:$0x3FA5] =	sst s2  }
0xb: {  	[smem:$0x3FA6] =	sst s3  }
0xc: {  	[smem:$0x3FA7] =	sst s4  }
0xd: {  	[smem:$0x3FA8] =	sst s5  }
0xe: {  	[smem:$0x3FA9] =	sst s6  }
0xf: {  	[smem:$0x3FAA] =	sst s7  }
0x10: {  	[smem:$0x3FAB] =	sst s8  }
0x11: {  	[smem:$0x3FAC] =	sst s9;
	s0 =	simm.s32 @!p0 $0x0  }
0x12: {  	s1 =	sld [smem:$0x3F92];
	s0 =	simm.s32 @p0 $0x1  }
0x13: {  	[smem:$0x3FAD] =	sst s0;
	s0 =	simm.s32 @!p1 $0x0  }
0x14: {  	s2 =	sld [smem:$0x3F91];
	s0 =	simm.s32 @p1 $0x1  }
0x15: {  	[smem:$0x3FAE] =	sst s0;
	s0 =	simm.s32 @!p2 $0x0  }
0x16: {  	s3 =	sld [smem:$0x3FDB];
	s0 =	simm.s32 @p2 $0x1  }
0x17: {  	s4 =	simm.s32 $0x1BF5;
	[smem:$0x3FB0] =	sst s0  }
0x18: {  	s0 =	sld [smem:$0x3F93];
	_ =	swait.ge [sflag:s4], $0x0  }
0x19: {  	s7 =	sld [smem:$0x3F94]  }
0x1a: {  	s8 =	sadd.s32 $0xFFFFE003, lr  }
0x1b: {  	s9 =	sadd.s32 $0xFFFFFEF7, lr;
	s5 =	simm.s32 $0xFFFFFFFF;
	p2 =	slt.u32 s8, $0xFFFFF086  }
0x1c: {  	p1 =	slt.u32 s9, $0xF7A;
	s5 =	simm.s32 @!p2 $0x0  }
0x1d: {  	s5 =	simm.s32 @p1 $0x1;
	p0 =	seq.s32 s7, s2  }
0x1e: {  	s7 =	smul.u32 @!p0 $0xF7A, s2;
	p2 =	seq.s32 @!p0 s5, $0x0  }
0x1f: {  	s9 =	smul.u32 $0xF7A, s1;
	s8 =	simm.s32 @!p0 $0x1BF5;
	p2 =	por !p2, p0  }
0x20: {  	[sflag:s8] =	ssyncset.s32 @!p0 $0xFFFFF086;
	s6 =	sadd.s32 @!p0 s3, s7;
	s7 =	simm.s32 @!p0 $0x108  }
0x21: {  	s3 =	sadd.s32 s3, s9;
	s6 =	sadd.s32 @!p0 $0x88, s6;
	s7 =	simm.s32 @p2 $0x1082  }
0x22: {  	[simem:s7], [sflag:s8] =	dma.local @!p0 [hbm:s6], $0xF7A  }
0x23: {  	s9 =	sor.u32 $0xD0000000, s2;
	s6 =	simm.s32 $0x108;
	_ =	swait.ge @!p0 [sflag:s8], $0x0  }
0x24: {  	s3 =	sadd.s32 $0x88, s3;
	s6 =	simm.s32 @!p1 $0x1082;
	[sflag:s4] =	ssyncset.s32 $0xFFFFF086  }
0x25: {  	[simem:s6], [sflag:s4] =	dma.local [hbm:s3], $0xF7A  }
0x26: {  	[smem:$0x3F94] =	sst s1;
	(tag) =	ssettag s2;
	_ =	strace s9  }
0x27: {  	s1 =	sld [smem:$0x3FA4]  }
0x28: {  	s2 =	sld [smem:$0x3FA5]  }
0x29: {  	s4 =	sld [smem:$0x3FA7]  }
0x2a: {  	p0 =	seq.s32 s5, $0x0;
	s5 =	sld [smem:$0x3FA8]  }
0x2b: {  	s6 =	sld [smem:$0x3FA9]  }
0x2c: {  	s7 =	sld [smem:$0x3FAA]  }
0x2d: {  	s3 =	simm.s32 $0x108;
	s8 =	sld [smem:$0x3FAB]  }
0x2e: {  	s3 =	simm.s32 @!p0 $0x1082;
	s9 =	sld [smem:$0x3FAC]  }
0x2f: {  	lr =	sadd.s32 s0, s3;
	s0 =	sld [smem:$0x3FA3]  }
0x30: {  	s3 =	sld [smem:$0x3FA6]  }
0x31: {  	[smem:$0x3FAF] =	sst s10  }
0x32: {  	s10 =	sld [smem:$0x3FAD];
	_ =	sdelay $0x3  }
0x33: {  	p0 =	seq.s32 s10, $0x1;
	s10 =	sld [smem:$0x3FAF];
	_ =	sdelay $0x3  }
0x34: {  	[smem:$0x3FAF] =	sst s10  }
0x35: {  	s10 =	sld [smem:$0x3FAE];
	_ =	sdelay $0x3  }
0x36: {  	p1 =	seq.s32 s10, $0x1;
	s10 =	sld [smem:$0x3FAF];
	_ =	sdelay $0x3  }
0x37: {  	[smem:$0x3FAF] =	sst s10  }
0x38: {  	s10 =	sld [smem:$0x3FB0]  }
0x39: {  	_ = 	snop;
	(pc) =	sbr.ind lr, $3  }
0x3a: {  	_ = 	snop  }
0x3b: {  	_ = 	snop  }
0x3c: {  	p2 =	seq.s32 s10, $0x1;
	s10 =	sld [smem:$0x3FAF]  }
0x3d: {  	_ =	shalt  }
0x3e: {  	_ =	shalt  }
0x3f: {  	_ =	shalt  }
0x40: {  	_ =	shalt  }
0x41: {  	_ =	shalt  }
0x42: {  	_ =	shalt  }
0x43: {  	_ =	shalt  }
0x44: {  	_ =	shalt  }
0x45: {  	_ =	shalt  }
0x46: {  	_ =	shalt  }
0x47: {  	_ =	shalt  }
0x48: {  	_ =	shalt  }
0x49: {  	_ =	shalt  }
0x4a: {  	_ =	shalt  }
0x4b: {  	_ =	shalt  }
0x4c: {  	_ =	shalt  }
0x4d: {  	_ =	shalt  }
0x4e: {  	_ =	shalt  }
0x4f: {  	_ =	shalt  }
0x50: {  	_ =	shalt  }
0x51: {  	_ =	shalt  }
0x52: {  	_ =	shalt  }
0x53: {  	_ =	shalt  }
0x54: {  	_ =	shalt  }
0x55: {  	_ =	shalt  }
0x56: {  	_ =	shalt  }
0x57: {  	_ =	shalt  }
0x58: {  	_ =	shalt  }
0x59: {  	_ =	shalt  }
0x5a: {  	_ =	shalt  }
0x5b: {  	_ =	shalt  }
0x5c: {  	_ =	shalt  }
0x5d: {  	_ =	shalt  }
0x5e: {  	_ =	shalt  }
0x5f: {  	_ =	shalt  }
0x60: {  	_ =	shalt  }
0x61: {  	_ =	shalt  }
0x62: {  	_ =	shalt  }
0x63: {  	_ =	shalt  }
0x64: {  	_ =	shalt  }
0x65: {  	_ =	shalt  }
0x66: {  	_ =	shalt  }
0x67: {  	_ =	shalt  }
0x68: {  	_ =	shalt  }
0x69: {  	_ =	shalt  }
0x6a: {  	_ =	shalt  }
0x6b: {  	_ =	shalt  }
0x6c: {  	_ =	shalt  }
0x6d: {  	_ =	shalt  }
0x6e: {  	_ =	shalt  }
0x6f: {  	_ =	shalt  }
0x70: {  	_ =	shalt  }
0x71: {  	_ =	shalt  }
0x72: {  	_ =	shalt  }
0x73: {  	_ =	shalt  }
0x74: {  	_ =	shalt  }
0x75: {  	_ =	shalt  }
0x76: {  	_ =	shalt  }
0x77: {  	_ =	shalt  }
0x78: {  	_ =	shalt  }
0x79: {  	_ =	shalt  }
0x7a: {  	_ =	shalt  }
0x7b: {  	_ =	shalt  }
0x7c: {  	_ =	shalt  }
0x7d: {  	_ =	shalt  }
0x7e: {  	_ =	shalt  }
0x7f: {  	_ =	shalt  }
0x80: {  	_ =	shalt  }
0x81: {  	_ =	shalt  }
0x82: {  	_ =	shalt  }
0x83: {  	_ =	shalt  }
0x84: {  	_ =	shalt  }
0x85: {  	_ =	shalt  }
0x86: {  	_ =	shalt  }
0x87: {  	_ =	shalt  }
.Lfunc_end0:
.L_simem_size_0:
called_computation_lowered:
.L_overlay_start_0:
0x88: {  	s2 =	sld [smem:$0x3FD9]  }
0x89: {  	s3 =	sld [smem:$0x3FFE];
	_ =	sdelay $0x1  }
0x8a: {  	s1 =	srdreg.scid  }
0x8b: {  	s0 =	sand.u32 $0x1, s1  }
0x8c: {  	s17 =	sshll.u32 s0, $0xA;
	s2 =	sadd.s32 s3, s2  }
0x8d: {  	s2 =	sadd.s32 s2, s17  }
0x8e: {  	[smem:$0x3FBB] =	sst s2  }
0x8f: {  	_ = 	snop  }
0x90: {  	s2 =	sld [smem:$0x3FC9]  }
0x91: {  	s18 =	sld [smem:$0x3FD0];
	(tm) =	ssettm $0x1  }
0x92: {  	s4 =	sld [smem:$0x3FFB];
	_ =	sdelay $0x3  }
0x93: {  	_ =	strace s4  }
0x94: {  	s4 =	sld [smem:$0x3FFC];
	_ =	sdelay $0x3  }
0x95: {  	_ =	strace s4  }
0x96: {  	s4 =	sld [smem:$0x3FFD];
	_ =	sdelay $0x3  }
0x97: {  	_ =	strace s4  }
0x98: {  	_ =	strace $0x8FFFFFFF  }
0x99: {  	s19 =	sld [smem:$0x3FDB];
	_ =	sdelay $0x1  }
0x9a: {  	s5 =	simm.s32 $_scs_section_size  }
0x9b: {  	s6 =	simm.s32 $_size__tile_overlayer_lowered;
	s7 =	simm.s32 $_tile_overlayer_lowered  }
0x9c: {  	s22 =	simm.s32 $0x1BFF;
	s21 =	sshll.u32 s7, $0x1;
	s4 =	sadd.s32 s5, s19  }
0x9d: {  	s8 =	simm.s32 $0x0;
	s20 =	sshll.u32 s6, $0x1;
	s6 =	sadd.s32 s21, s4  }
0x9e: {  	[timem:s8], [sflag:s22] =	dma.local [hbm:s6], s20  }
0x9f: {  	_ =	swait.ge [sflag:s22], s20  }
0xa0: {  	s5 =	ssub.s32 $0x0, s20;
	[sflag:s22] =	ssyncset.done $0x0  }
0xa1: {  	[sflag:s22] =	ssyncadd.s32 s5;
	_ =	sdelay $0x1  }
0xa2: {  	s23 =	simm.s32 $0x1B8B  }
0xa3: {  	_ =	swait.ge [sflag:s23], $0x1  }
0xa4: {  	[sflag:s23] =	ssyncset.done $0x0  }
0xa5: {  	s25 =	simm.s32 $0x1B8E;
	s24 =	sld [smem:$0x3FFE];
	[sflag:s23] =	ssyncadd.s32 $0xFFFFFFFF  }
0xa6: {  	s26 =	simm.s32 $execute0_lowered;
	[smem:$0x3FD2] =	sst s25  }
0xa7: {  	s6 =	sshll.u32 s26, $0x1;
	_ =	strace $0x80000046;
	[dreg:$0x1] =	wrdreg $0xFFFFFFFF  }
0xa8: {  	s28 =	simm.s32 $_size_execute0_lowered;
	s4 =	sadd.s32 s4, s6;
	[dreg:$0x0] =	wrdreg $0x0  }
0xa9: {  	s6 =	sshll.u32 s28, $0x1;
	[dreg:$0x2] =	wrdreg s4  }
0xaa: {  	[dreg:$0x3] =	wrdreg s6  }
0xab: {  	[dreg:$0x4] =	wrdreg $0xC0  }
0xac: {  	_ =	task [dreg:s8], $0x5FFFF  }
0xad: {  	[dreg:$0x1] =	wrdreg $0xFFFFFFFF  }
0xae: {  	[dreg:$0x0] =	wrdreg $0x60  }
0xaf: {  	[dreg:$0x2] =	wrdreg s2  }
0xb0: {  	[dreg:$0x3] =	wrdreg s24  }
0xb1: {  	[dreg:$0x4] =	wrdreg s18  }
0xb2: {  	[dreg:$0x5] =	wrdreg $0xA7000  }
0xb3: {  	[dreg:$0x6] =	wrdreg $0x1E7000  }
0xb4: {  	[dreg:$0x7] =	wrdreg $0x9  }
0xb5: {  	_ =	task.clear_ibuf [dreg:s8], $0x8FFFF;
	_ =	strace $0x90000046  }
0xb6: {  	s29 =	simm.s32 $0x9;
	_ =	strace $0x80000048  }
0xb7: {  	_ =	swait.ge [sflag:s29], $0x1  }
0xb8: {  	[sflag:s29] =	ssyncadd.s32 $0xFFFFFFFF  }
0xb9: {  	_ =	strace $0x90000048  }
0xba: {  	_ =	sfence  }
0xbb: {  	s30 =	sld [smem:$0x0];
	_ =	sdelay $0x2  }
0xbc: {  	s31 =	sshll.u32 s1, $0xD;
	s1 =	sshrl.u32 s1, $0x2  }
0xbd: {  	s3 =	sand.u32 $0x4000, s31;
	s1 =	sadd.s32 s1, s30  }
0xbe: {  	s0 =	sor.u32 s3, s0;
	s1 =	sshll.u32 s1, $0x11  }
0xbf: {  	s0 =	sor.u32 s1, s0  }
0xc0: {  	s0 =	sadd.s32 $0x8F2B, s0  }
0xc1: {  	[sflag:s0] =	ssyncadd.remote.s32 $0x1  }
0xc2: {  	_ =	sfence.sel $0xFFFF  }
0xc3: {  	[dreg:$0x0] =	wrdreg $0xFFFFFFFF;
	(pc) =	sbr.abs _section_cstart, $3  }
0xc4: {  	[dreg:$0x1] =	wrdreg $0xFFFFFFFF  }
0xc5: {  	_ =	task.clear_ibuf [dreg:s8], $0x2FFFF;
	_ =	strace $0x9FFFFFFF  }
0xc6: {  	(tm) =	ssettm $0x7FFFFFFF  }
0xc7: {  	_ =	shalt  }
tec
execute0_lowered:
.L_overlay_start_1:
0x0: {  	(tag) =	ssettag $0x1  }
0x1: {  	s1 =	rddreg [dreg:$0x0]  }
0x2: {  	s0 =	rddreg [dreg:$0x1]  }
0x3: {  	s11 =	rddreg [dreg:$0x2]  }
0x4: {  	s2 =	rddreg [dreg:$0x3]  }
0x5: {  	s3 =	rddreg [dreg:$0x4];
	s4 =	srdreg.scid  }
0x6: {  	s5 =	simm.s32 $0x0;
	s28 =	simm.s32 $0x1400;
	s29 =	simm.s32 $0x2800  }
0x7: {  	s30 =	simm.s32 $0x40;
	s12 =	sand.u32 $0x1, s4;
	s4 =	stileid.u32  }
0x8: {  	s31 =	simm.s32 $0x3C00;
	[smem:$0x7FF] =	sst s5;
	s9 =	smul.u32 $0x140000, s12  }
0x9: {  	s6 =	sadd.s32 $0x1A00, s0;
	s7 =	sadd.s32 $0x15A00, s0;
	s10 =	smul.u32 $0x14000, s4  }
0xa: {  	s8 =	sadd.s32 $0x29A00, s0;
	s25 =	ssub.s32 $0x2, s12;
	s13 =	smul.u32 $0x50000, s4  }
0xb: {  	_ =	strace $0x80000047;
	s26 =	sshrl.u32 s25, $0x1;
	s9 =	sadd.s32 s10, s9  }
0xc: {  	s15 =	ssub.s32 s25, s26;
	s10 =	sshll.u32 s12, $0x4;
	s16 =	sshrl.u32 s13, $0x2  }
0xd: {  	s17 =	sor.u32 s4, s10;
	s10 =	sadd.s32 s16, s2;
	s26 =	smax.u32 s15, $0x1  }
0xe: {  	s14 =	smul.u32 $0x280, s4;
	s16 =	sadd.s32 $0x2000, s10;
	[dreg:$0x11] =	wrdreg s26  }
0xf: {  	p0 =	sne.s32 s12, $0x0;
	s18 =	sadd.s32 $0x4000, s10;
	[dreg:$0x6] =	wrdreg s16  }
0x10: {  	s12 =	simm.s32 $0x1;
	s19 =	sadd.s32 $0x6000, s10;
	[dreg:$0x7] =	wrdreg s18  }
0x11: {  	s13 =	simm.s32 $0xA400;
	s20 =	sadd.s32 $0x8000, s10;
	[dreg:$0x8] =	wrdreg s19  }
0x12: {  	s9 =	sshrl.u32 s9, $0x3;
	s21 =	sadd.s32 $0xA000, s10;
	[dreg:$0x9] =	wrdreg s20  }
0x13: {  	s0 =	sadd.s32 s9, s0;
	s22 =	sadd.s32 $0xC000, s10;
	[dreg:$0xa] =	wrdreg s21  }
0x14: {  	s9 =	sadd.s32 s14, s3;
	s23 =	sadd.s32 $0xE000, s10;
	[dreg:$0xb] =	wrdreg s22  }
0x15: {  	s24 =	sadd.s32 $0x10000, s10;
	s14 =	sshrl.u32 s14, $0x3;
	[dreg:$0xc] =	wrdreg s23  }
.Ltmp0:
0x16: {  	s25 =	sadd.s32 $0x12000, s10;
	[dreg:$0xd] =	wrdreg s24;
	(pc) =	sbr.rel .LBB2_1-.Ltmp0, $4  }
0x17: {  	s26 =	simm.s32 $0x6400;
	[dreg:$0xe] =	wrdreg s25;
	s11 =	sadd.s32 s11, s14  }
0x18: {  	s21 =	smul.u32 $0x5000, s17;
	s0 =	sadd.s32 $0x3DA00, s0;
	s20 =	simm.s32 $0xA480  }
0x19: {  	s25 =	simm.s32 $0x3;
	s14 =	simm.s32 $0x2;
	[dreg:$0xf] =	wrdreg s11  }
0x1a: {  	v0 =	vimm.f32 $1.000000000e+00;
	v1 =	vimm.f32 $0.0e+00;
	[dreg:$0x10] =	wrdreg s0;
	s0 =	simm.s32 $0x80;
	s11 =	simm.s32 $0x8400  }
.LBB2_18:
0x1b: {  	s15 =	sshll.u32 s4, $0x6;
	[bflag:$0x0] =	sbarrier.arrive $0xFFFF  }
0x1c: {  	s16 =	sshrl.u32 s10, $0x3;
	s15 =	sor.u32 $0x1C03, s15;
	s17 =	rddreg [dreg:$0x10]  }
0x1d: {  	[hbm:s17], [sflag:s15] =	dma.local [spmem:s16], $0x2800  }
0x1e: {  	_ =	swait.ge [sflag:s25], $0x2800  }
0x1f: {  	s5 =	sadd.s32 $0x1, s5;
	s24 =	rddreg [dreg:$0x11]  }
0x20: {  	p1 =	sne.s32 s5, s24  }
.Ltmp1:
0x21: {  	_ = 	snop;
	(pc) =	sbr.rel @!p1 .LBB2_19-.Ltmp1, $3  }
0x22: {  	_ =	sdelay $0x1  }
0x23: {  	[sflag:s25] =	ssyncset.done $0x0  }
0x24: {  	s20 =	simm.s32 $0xA480;
	[sflag:s25] =	ssyncadd.s32 $0xFFFFD800  }
.LBB2_1:
0x25: {  	[tilespmem:$0xA480] =	vst v0  }
0x26: {  	[tilespmem:$0xA490] =	vst v0  }
0x27: {  	[tilespmem:$0xA4A0] =	vst v0  }
0x28: {  	[tilespmem:$0xA4B0] =	vst v0  }
0x29: {  	[tilespmem:$0xA4C0] =	vst v0  }
0x2a: {  	[tilespmem:$0xA4D0] =	vst v0  }
0x2b: {  	[tilespmem:$0xA4E0] =	vst v0  }
0x2c: {  	[tilespmem:$0xA4F0] =	vst v0  }
0x2d: {  	[tilespmem:$0xA500] =	vst v0  }
0x2e: {  	[tilespmem:$0xA510] =	vst v0  }
0x2f: {  	[tilespmem:$0xA520] =	vst v0  }
0x30: {  	[tilespmem:$0xA530] =	vst v0  }
0x31: {  	[tilespmem:$0xA540] =	vst v0  }
0x32: {  	[tilespmem:$0xA550] =	vst v0  }
0x33: {  	[tilespmem:$0xA560] =	vst v0  }
0x34: {  	[tilespmem:$0xA570] =	vst v0  }
0x35: {  	[tilespmem:$0xA580] =	vst v0  }
0x36: {  	[tilespmem:$0xA590] =	vst v0  }
0x37: {  	[tilespmem:$0xA5A0] =	vst v0  }
0x38: {  	[tilespmem:$0xA5B0] =	vst v0  }
0x39: {  	[tilespmem:$0xA5C0] =	vst v0  }
0x3a: {  	[tilespmem:$0xA5D0] =	vst v0  }
0x3b: {  	[tilespmem:$0xA5E0] =	vst v0  }
0x3c: {  	[tilespmem:$0xA5F0] =	vst v0  }
0x3d: {  	[tilespmem:$0xA600] =	vst v0  }
0x3e: {  	[tilespmem:$0xA610] =	vst v0  }
0x3f: {  	[tilespmem:$0xA620] =	vst v0  }
0x40: {  	[tilespmem:$0xA630] =	vst v0  }
0x41: {  	[tilespmem:$0xA640] =	vst v0  }
0x42: {  	[tilespmem:$0xA650] =	vst v0  }
0x43: {  	[tilespmem:$0xA660] =	vst v0  }
0x44: {  	[tilespmem:$0xA670] =	vst v0  }
0x45: {  	[tilespmem:$0xA680] =	vst v0  }
0x46: {  	[tilespmem:$0xA690] =	vst v0  }
0x47: {  	[tilespmem:$0xA6A0] =	vst v0  }
0x48: {  	[tilespmem:$0xA6B0] =	vst v0  }
0x49: {  	[tilespmem:$0xA6C0] =	vst v0  }
0x4a: {  	[tilespmem:$0xA6D0] =	vst v0  }
0x4b: {  	[tilespmem:$0xA6E0] =	vst v0  }
0x4c: {  	[tilespmem:$0xA6F0] =	vst v0  }
0x4d: {  	[spmem:s9] =	stream.linear.scatter [tilespmem:s20], [sflag:$0x3], $0x280, $0x38;
	[tilespmem:$0x1E980] =	vst v63  }
0x4e: {  	_ =	swait.ge [sflag:s25], $0x280  }
0x4f: {  	[sflag:s25] =	ssyncset.done $0x0  }
0x50: {  	s15 =	simm.s32 $0x0;
	s16 =	simm.s32 $0x200;
	[sflag:s25] =	ssyncadd.s32 $0xFFFFFD80  }
.LBB2_2:
0x51: {  	p1 =	sne.s32 s16, $0x7E00;
	[tilespmem:s15+$0x6470] =	vst v1  }
0x52: {  	[tilespmem:s15+$0x6400] =	vst v1  }
0x53: {  	[tilespmem:s15+$0x6410] =	vst v1  }
.Ltmp2:
0x54: {  	[tilespmem:s15+$0x6420] =	vst v1;
	(pc) =	sbr.rel @p1 .LBB2_2-.Ltmp2, $4  }
0x55: {  	[tilespmem:s15+$0x6430] =	vst v1  }
0x56: {  	[tilespmem:s15+$0x6440] =	vst v1  }
0x57: {  	[tilespmem:s15+$0x6450] =	vst v1  }
0x58: {  	[tilespmem:s15+$0x6460] =	vst v1;
	s15 =	sshra.s32 s16, $0x2;
	s16 =	sadd.s32 $0x200, s16  }
0x59: {  	[tilespmem:s15+$0x6470] =	vst v1  }
0x5a: {  	[tilespmem:s15+$0x6400] =	vst v1  }
0x5b: {  	[tilespmem:s15+$0x6410] =	vst v1  }
0x5c: {  	[tilespmem:s15+$0x6420] =	vst v1  }
0x5d: {  	[tilespmem:s15+$0x6430] =	vst v1  }
0x5e: {  	[tilespmem:s15+$0x6440] =	vst v1  }
0x5f: {  	[tilespmem:s15+$0x6450] =	vst v1  }
0x60: {  	[tilespmem:s15+$0x6460] =	vst v1  }
0x61: {  	[spmem:s10] =	stream.linear.scatter [tilespmem:s26], [sflag:$0x3], $0x2000, $0x38;
	[tilespmem:$0x1E980] =	vst v63  }
0x62: {  	_ =	swait.ge [sflag:s25], $0x2000  }
0x63: {  	[sflag:s25] =	ssyncset.done $0x0  }
0x64: {  	s23 =	rddreg [dreg:$0x6];
	[sflag:s25] =	ssyncadd.s32 $0xFFFFE000  }
0x65: {  	[spmem:s23] =	stream.linear.scatter [tilespmem:s26], [sflag:$0x3], $0x2000, $0x38;
	[tilespmem:$0x1E980] =	vst v63  }
0x66: {  	_ =	swait.ge [sflag:s25], $0x2000  }
0x67: {  	[sflag:s25] =	ssyncset.done $0x0  }
0x68: {  	s24 =	rddreg [dreg:$0x7];
	[sflag:s25] =	ssyncadd.s32 $0xFFFFE000  }
0x69: {  	[spmem:s24] =	stream.linear.scatter [tilespmem:s26], [sflag:$0x3], $0x2000, $0x38;
	[tilespmem:$0x1E980] =	vst v63  }
0x6a: {  	_ =	swait.ge [sflag:s25], $0x2000  }
0x6b: {  	[sflag:s25] =	ssyncset.done $0x0  }
0x6c: {  	s16 =	rddreg [dreg:$0x8];
	[sflag:s25] =	ssyncadd.s32 $0xFFFFE000  }
0x6d: {  	[spmem:s16] =	stream.linear.scatter [tilespmem:s26], [sflag:$0x3], $0x2000, $0x38;
	[tilespmem:$0x1E980] =	vst v63  }
0x6e: {  	_ =	swait.ge [sflag:s25], $0x2000  }
0x6f: {  	[sflag:s25] =	ssyncset.done $0x0  }
0x70: {  	s17 =	rddreg [dreg:$0x9];
	[sflag:s25] =	ssyncadd.s32 $0xFFFFE000  }
0x71: {  	[spmem:s17] =	stream.linear.scatter [tilespmem:s26], [sflag:$0x3], $0x2000, $0x38;
	[tilespmem:$0x1E980] =	vst v63  }
0x72: {  	_ =	swait.ge [sflag:s25], $0x2000  }
0x73: {  	[sflag:s25] =	ssyncset.done $0x0  }
0x74: {  	s18 =	rddreg [dreg:$0xa];
	[sflag:s25] =	ssyncadd.s32 $0xFFFFE000  }
0x75: {  	[spmem:s18] =	stream.linear.scatter [tilespmem:s26], [sflag:$0x3], $0x2000, $0x38;
	[tilespmem:$0x1E980] =	vst v63  }
0x76: {  	_ =	swait.ge [sflag:s25], $0x2000  }
0x77: {  	[sflag:s25] =	ssyncset.done $0x0  }
0x78: {  	s19 =	rddreg [dreg:$0xb];
	[sflag:s25] =	ssyncadd.s32 $0xFFFFE000  }
0x79: {  	[spmem:s19] =	stream.linear.scatter [tilespmem:s26], [sflag:$0x3], $0x2000, $0x38;
	[tilespmem:$0x1E980] =	vst v63  }
0x7a: {  	_ =	swait.ge [sflag:s25], $0x2000  }
0x7b: {  	[sflag:s25] =	ssyncset.done $0x0  }
0x7c: {  	s22 =	rddreg [dreg:$0xc];
	[sflag:s25] =	ssyncadd.s32 $0xFFFFE000  }
0x7d: {  	[spmem:s22] =	stream.linear.scatter [tilespmem:s26], [sflag:$0x3], $0x2000, $0x38;
	[tilespmem:$0x1E980] =	vst v63  }
0x7e: {  	_ =	swait.ge [sflag:s25], $0x2000  }
0x7f: {  	[sflag:s25] =	ssyncset.done $0x0  }
0x80: {  	s23 =	rddreg [dreg:$0xd];
	[sflag:s25] =	ssyncadd.s32 $0xFFFFE000  }
0x81: {  	[spmem:s23] =	stream.linear.scatter [tilespmem:s26], [sflag:$0x3], $0x2000, $0x38;
	[tilespmem:$0x1E980] =	vst v63  }
0x82: {  	_ =	swait.ge [sflag:s25], $0x2000  }
0x83: {  	[sflag:s25] =	ssyncset.done $0x0  }
0x84: {  	s24 =	rddreg [dreg:$0xe];
	[sflag:s25] =	ssyncadd.s32 $0xFFFFE000  }
0x85: {  	[spmem:s24] =	stream.linear.scatter [tilespmem:s26], [sflag:$0x3], $0x2000, $0x38;
	[tilespmem:$0x1E980] =	vst v63  }
0x86: {  	_ =	swait.ge [sflag:s25], $0x2000  }
0x87: {  	[sflag:s25] =	ssyncset.done $0x0  }
0x88: {  	[sflag:s25] =	ssyncadd.s32 $0xFFFFE000  }
0x89: {  	s15 =	simm.s32 $0x0;
	s16 =	simm.s32 $0x0;
	[bflag:$0x0] =	sbarrier.arrive $0xFFFF  }
.LBB2_4:
0x8a: {  	s17 =	sshll.u32 s16, $0x2  }
0x8b: {  	s18 =	sand.u32 $0x3, s16;
	s17 =	sand.u32 $0x10, s17  }
0x8c: {  	s18 =	smul.u32 $0x1400, s18;
	s17 =	sor.u32 s4, s17  }
0x8d: {  	s17 =	smul.u32 $0x5000, s17;
	_ =	sdelay $0x1  }
0x8e: {  	s17 =	sadd.s32 s18, s17  }
0x8f: {  	s17 =	sshrl.u32 s17, $0x3  }
0x90: {  	s22 =	sadd.s32 s7, s17  }
0x91: {  	[tilespmem:s28], [sflag:$0x3] =	stream.linear.gather [hbm4b:s22+s15], $0x1400, $0x38;
	[tilespmem:$0x1E980] =	vst v63  }
0x92: {  	_ =	swait.ge [sflag:s25], $0x1400  }
0x93: {  	[sflag:s25] =	ssyncset.done $0x0  }
0x94: {  	s17 =	sadd.s32 s8, s17;
	[sflag:s25] =	ssyncadd.s32 $0xFFFFEC00  }
0x95: {  	[tilespmem:s29], [sflag:$0x3] =	stream.linear.gather [hbm4b:s17+s15], $0x1400, $0x38;
	[tilespmem:$0x1E980] =	vst v63  }
0x96: {  	_ =	swait.ge [sflag:s25], $0x1400  }
0x97: {  	[sflag:s25] =	ssyncset.done $0x0  }
0x98: {  	s23 =	simm.s32 $0x2800;
	s24 =	simm.s32 $0x1400;
	[sflag:s25] =	ssyncadd.s32 $0xFFFFEC00  }
0x99: {  	[spmem:s3] =	stream.indirect.scatter.add.f32 [tilespmem:s23], [sflag:$0x3], $0x1, s24, s30, $0xb8;
	[tilespmem:$0x1E980] =	vst v63  }
0x9a: {  	s17 =	simm.s32 $0x200;
	_ =	swait.ge [sflag:s25], $0x40  }
.LBB2_5:
0x9b: {  	s18 =	sshra.s32 s17, $0x2  }
0x9c: {  	[sflag:s25] =	ssyncset.done $0x0;
	p1 =	sne.s32 s17, $0x4E00;
	s19 =	sadd.s32 $0x2800, s18  }
.Ltmp3:
0x9d: {  	s18 =	sadd.s32 $0x1400, s18;
	[sflag:s25] =	ssyncadd.s32 $0xFFFFFFC0;
	(pc) =	sbr.rel @p1 .LBB2_5-.Ltmp3, $3  }
0x9e: {  	[spmem:s3] =	stream.indirect.scatter.add.f32 [tilespmem:s19], [sflag:$0x3], $0x1, s18, s30, $0xb8;
	[tilespmem:$0x1E980] =	vst v63  }
0x9f: {  	s17 =	sadd.s32 $0x200, s17;
	_ =	sdelay $0x1  }
0xa0: {  	_ =	swait.ge [sflag:s25], $0x40  }
0xa1: {  	s16 =	sadd.s32 $0x1, s16  }
0xa2: {  	p1 =	sne.s32 s16, $0x8  }
.Ltmp4:
0xa3: {  	_ = 	snop;
	(pc) =	sbr.rel @p1 .LBB2_4-.Ltmp4, $3  }
0xa4: {  	_ =	sdelay $0x1  }
0xa5: {  	[sflag:s25] =	ssyncset.done $0x0  }
0xa6: {  	[sflag:s25] =	ssyncadd.s32 $0xFFFFFFC0  }
0xa7: {  	[bflag:$0x0] =	sbarrier.arrive $0xFFFF  }
0xa8: {  	[tilespmem:s20], [sflag:$0x3] =	stream.linear.gather [spmem:s9], $0x280, $0x38;
	[tilespmem:$0x1E980] =	vst v63  }
0xa9: {  	_ =	swait.ge [sflag:s25], $0x280  }
0xaa: {  	[sflag:s25] =	ssyncset.done $0x0  }
0xab: {  	s15 =	simm.s32 $0x0;
	s16 =	simm.s32 $0x40;
	[sflag:s25] =	ssyncadd.s32 $0xFFFFFD80  }
.LBB2_8:
0xac: {  	p1 =	sne.s32 s16, $0x9C0;
	v2 =	vld [tilespmem:s15+$0xA480];
	_ =	sdelay $0x4  }
0xad: {  	vm0 =	vge.f32 v2, $2.000000000e+00  }
0xae: {  	v3 =	vsel vm0, $0x3F000000, v0;
	vm0 =	vge.f32 v2, $4.000000000e+00  }
0xaf: {  	v3 =	vsel vm0, $0x3EB504F3, v3;
	vm0 =	vge.f32 v2, $8.000000000e+00  }
0xb0: {  	v3 =	vsel vm0, $0x3E800000, v3;
	vm0 =	vge.f32 v2, $1.600000000e+01  }
0xb1: {  	v3 =	vsel vm0, $0x3E3504F3, v3;
	vm0 =	vge.f32 v2, $3.200000000e+01  }
0xb2: {  	v3 =	vsel vm0, $0x3E000000, v3;
	vm0 =	vge.f32 v2, $6.400000000e+01  }
0xb3: {  	v3 =	vsel vm0, $0x3DB504F3, v3;
	vm0 =	vge.f32 v2, $1.280000000e+02  }
0xb4: {  	v3 =	vsel vm0, $0x3D800000, v3;
	vm0 =	vge.f32 v2, $2.560000000e+02  }
0xb5: {  	v3 =	vsel vm0, $0x3D3504F3, v3;
	vm0 =	vge.f32 v2, $5.120000000e+02  }
0xb6: {  	v3 =	vsel vm0, $0x3D000000, v3;
	vm0 =	vge.f32 v2, $1.024000000e+03  }
0xb7: {  	v3 =	vsel vm0, $0x3CB504F3, v3;
	vm0 =	vge.f32 v2, $2.048000000e+03  }
0xb8: {  	v3 =	vsel vm0, $0x3C800000, v3;
	vm0 =	vge.f32 v2, $4.096000000e+03  }
0xb9: {  	v3 =	vsel vm0, $0x3C3504F3, v3;
	vm0 =	vge.f32 v2, $8.192000000e+03  }
0xba: {  	v3 =	vsel vm0, $0x3C000000, v3;
	vm0 =	vge.f32 v2, $1.638400000e+04  }
0xbb: {  	v3 =	vsel vm0, $0x3BB504F3, v3;
	vm0 =	vge.f32 v2, $3.276800000e+04  }
0xbc: {  	v3 =	vsel vm0, $0x3B800000, v3;
	vm0 =	vge.f32 v2, $6.553600000e+04  }
0xbd: {  	v3 =	vsel vm0, $0x3B3504F3, v3;
	vm0 =	vge.f32 v2, $1.310720000e+05  }
0xbe: {  	v3 =	vsel vm0, $0x3B000000, v3;
	vm0 =	vge.f32 v2, $2.621440000e+05  }
0xbf: {  	v3 =	vsel vm0, $0x3AB504F3, v3;
	vm0 =	vge.f32 v2, $5.242880000e+05  }
0xc0: {  	v3 =	vsel vm0, $0x3A800000, v3;
	vm0 =	vge.f32 v2, $1.048576000e+06;
	v2 =	vmul.f32 $5.000000000e-01, v2  }
0xc1: {  	v3 =	vsel vm0, $0x3A3504F3, v3  }
0xc2: {  	v4 =	vmul.f32 v3, v2;
	_ =	sdelay $0x1  }
0xc3: {  	v4 =	vmul.f32 v4, v3;
	_ =	sdelay $0x1  }
0xc4: {  	v4 =	vsub.f32 $1.500000000e+00, v4;
	_ =	sdelay $0x1  }
0xc5: {  	v3 =	vmul.f32 v4, v3;
	_ =	sdelay $0x1  }
0xc6: {  	v4 =	vmul.f32 v3, v2;
	_ =	sdelay $0x1  }
0xc7: {  	v4 =	vmul.f32 v4, v3;
	_ =	sdelay $0x1  }
0xc8: {  	v4 =	vsub.f32 $1.500000000e+00, v4;
	_ =	sdelay $0x1  }
0xc9: {  	v3 =	vmul.f32 v4, v3;
	_ =	sdelay $0x1  }
0xca: {  	v4 =	vmul.f32 v3, v2;
	_ =	sdelay $0x1  }
0xcb: {  	v4 =	vmul.f32 v4, v3;
	_ =	sdelay $0x1  }
0xcc: {  	v4 =	vsub.f32 $1.500000000e+00, v4;
	_ =	sdelay $0x1  }
0xcd: {  	v3 =	vmul.f32 v4, v3;
	_ =	sdelay $0x1  }
0xce: {  	v4 =	vmul.f32 v3, v2;
	_ =	sdelay $0x1  }
0xcf: {  	v4 =	vmul.f32 v4, v3;
	_ =	sdelay $0x1  }
0xd0: {  	v4 =	vsub.f32 $1.500000000e+00, v4;
	_ =	sdelay $0x1  }
0xd1: {  	v3 =	vmul.f32 v4, v3;
	_ =	sdelay $0x1  }
0xd2: {  	v2 =	vmul.f32 v3, v2;
	_ =	sdelay $0x1  }
0xd3: {  	v2 =	vmul.f32 v2, v3;
	_ =	sdelay $0x1  }
.Ltmp5:
0xd4: {  	v2 =	vsub.f32 $1.500000000e+00, v2;
	(pc) =	sbr.rel @p1 .LBB2_8-.Ltmp5, $3  }
0xd5: {  	_ = 	snop  }
0xd6: {  	v2 =	vmul.f32 v2, v3;
	_ =	sdelay $0x1  }
0xd7: {  	[tilespmem:s15+$0xA480] =	vst v2;
	s15 =	sshra.s32 s16, $0x2;
	s16 =	sadd.s32 $0x40, s16  }
0xd8: {  	v2 =	vld [tilespmem:s15+$0xA480];
	_ =	sdelay $0x4  }
0xd9: {  	vm0 =	vge.f32 v2, $2.000000000e+00  }
0xda: {  	vm9 =	vge.f32 v2, $4.000000000e+00;
	v3 =	vsel vm0, $0x3F000000, v0  }
0xdb: {  	vm10 =	vge.f32 v2, $8.000000000e+00;
	v3 =	vsel vm9, $0x3EB504F3, v3  }
0xdc: {  	vm11 =	vge.f32 v2, $1.600000000e+01;
	v3 =	vsel vm10, $0x3E800000, v3  }
0xdd: {  	vm12 =	vge.f32 v2, $3.200000000e+01;
	v3 =	vsel vm11, $0x3E3504F3, v3  }
0xde: {  	vm13 =	vge.f32 v2, $6.400000000e+01;
	v3 =	vsel vm12, $0x3E000000, v3  }
0xdf: {  	vm14 =	vge.f32 v2, $1.280000000e+02;
	v3 =	vsel vm13, $0x3DB504F3, v3  }
0xe0: {  	vm15 =	vge.f32 v2, $2.560000000e+02;
	v3 =	vsel vm14, $0x3D800000, v3  }
0xe1: {  	vm4 =	vge.f32 v2, $5.120000000e+02;
	v3 =	vsel vm15, $0x3D3504F3, v3  }
0xe2: {  	vm5 =	vge.f32 v2, $1.024000000e+03;
	v3 =	vsel vm4, $0x3D000000, v3  }
0xe3: {  	vm6 =	vge.f32 v2, $2.048000000e+03;
	v3 =	vsel vm5, $0x3CB504F3, v3  }
0xe4: {  	vm7 =	vge.f32 v2, $4.096000000e+03;
	v3 =	vsel vm6, $0x3C800000, v3  }
0xe5: {  	vm8 =	vge.f32 v2, $8.192000000e+03;
	v3 =	vsel vm7, $0x3C3504F3, v3  }
0xe6: {  	vm9 =	vge.f32 v2, $1.638400000e+04;
	v3 =	vsel vm8, $0x3C000000, v3  }
0xe7: {  	vm10 =	vge.f32 v2, $3.276800000e+04;
	v3 =	vsel vm9, $0x3BB504F3, v3  }
0xe8: {  	vm11 =	vge.f32 v2, $6.553600000e+04;
	v3 =	vsel vm10, $0x3B800000, v3  }
0xe9: {  	vm12 =	vge.f32 v2, $1.310720000e+05;
	v3 =	vsel vm11, $0x3B3504F3, v3  }
0xea: {  	vm13 =	vge.f32 v2, $2.621440000e+05;
	v3 =	vsel vm12, $0x3B000000, v3  }
0xeb: {  	vm14 =	vge.f32 v2, $5.242880000e+05;
	v3 =	vsel vm13, $0x3AB504F3, v3  }
0xec: {  	vm15 =	vge.f32 v2, $1.048576000e+06;
	v2 =	vmul.f32 $5.000000000e-01, v2;
	v3 =	vsel vm14, $0x3A800000, v3  }
0xed: {  	v3 =	vsel vm15, $0x3A3504F3, v3  }
0xee: {  	v4 =	vmul.f32 v3, v2;
	_ =	sdelay $0x1  }
0xef: {  	v4 =	vmul.f32 v4, v3;
	_ =	sdelay $0x1  }
0xf0: {  	v4 =	vsub.f32 $1.500000000e+00, v4;
	_ =	sdelay $0x1  }
0xf1: {  	v3 =	vmul.f32 v4, v3;
	_ =	sdelay $0x1  }
0xf2: {  	v4 =	vmul.f32 v3, v2;
	_ =	sdelay $0x1  }
0xf3: {  	v4 =	vmul.f32 v4, v3;
	_ =	sdelay $0x1  }
0xf4: {  	v4 =	vsub.f32 $1.500000000e+00, v4;
	_ =	sdelay $0x1  }
0xf5: {  	v3 =	vmul.f32 v4, v3;
	_ =	sdelay $0x1  }
0xf6: {  	v4 =	vmul.f32 v3, v2;
	_ =	sdelay $0x1  }
0xf7: {  	v4 =	vmul.f32 v4, v3;
	_ =	sdelay $0x1  }
0xf8: {  	v4 =	vsub.f32 $1.500000000e+00, v4;
	_ =	sdelay $0x1  }
0xf9: {  	v3 =	vmul.f32 v4, v3;
	_ =	sdelay $0x1  }
0xfa: {  	v4 =	vmul.f32 v3, v2;
	_ =	sdelay $0x1  }
0xfb: {  	v4 =	vmul.f32 v4, v3;
	_ =	sdelay $0x1  }
0xfc: {  	v4 =	vsub.f32 $1.500000000e+00, v4;
	_ =	sdelay $0x1  }
0xfd: {  	v3 =	vmul.f32 v4, v3;
	_ =	sdelay $0x1  }
0xfe: {  	v2 =	vmul.f32 v3, v2;
	_ =	sdelay $0x1  }
0xff: {  	v2 =	vmul.f32 v2, v3;
	_ =	sdelay $0x1  }
0x100: {  	v2 =	vsub.f32 $1.500000000e+00, v2;
	_ =	sdelay $0x1  }
0x101: {  	v2 =	vmul.f32 v2, v3;
	_ =	sdelay $0x1  }
0x102: {  	[tilespmem:s15+$0xA480] =	vst v2  }
0x103: {  	[spmem:s9] =	stream.linear.scatter [tilespmem:s20], [sflag:$0x3], $0x280, $0x38;
	[tilespmem:$0x1E980] =	vst v63  }
0x104: {  	_ =	swait.ge [sflag:s25], $0x280  }
0x105: {  	s16 =	simm.s32 @!p0 $0xA480;
	[sflag:s25] =	ssyncset.done $0x0  }
0x106: {  	s15 =	simm.s32 @!p0 $0x0;
	s17 =	rddreg [dreg:$0xf];
	[sflag:s25] =	ssyncadd.s32 $0xFFFFFD80  }
0x107: {  	[hbm4b:s17+s15] =	stream.linear.scatter @!p0 [tilespmem:s16], [sflag:$0x3], $0x280, $0x38;
	[tilespmem:$0x1E980] =	vst v63  }
0x108: {  	s15 =	simm.s32 @!p0 $0x3  }
0x109: {  	_ =	swait.ge @!p0 [sflag:s15], $0x280  }
0x10a: {  	[sflag:s15] =	ssyncset.done @!p0 $0x0  }
0x10b: {  	[sflag:s15] =	ssyncadd.s32 @!p0 $0xFFFFFD80  }
.Ltmp6:
0x10c: {  	[bflag:$0x0] =	sbarrier.arrive $0xFFFF;
	(pc) =	sbr.rel .LBB2_10-.Ltmp6, $4  }
0x10d: {  	[tilespmem:s31], [sflag:$0x3] =	stream.linear.gather [spmem:s3], $0x2800, $0x38;
	[tilespmem:$0x1E980] =	vst v63  }
0x10e: {  	_ =	swait.ge [sflag:s25], $0x2800  }
0x10f: {  	[sflag:s25] =	ssyncset.done $0x0  }
0x110: {  	s16 =	simm.s32 $0x0;
	s15 =	simm.s32 $0x0;
	[sflag:s25] =	ssyncadd.s32 $0xFFFFD800  }
.LBB2_17:
0x111: {  	s16 =	sadd.s32 $0x1, s16  }
0x112: {  	p1 =	sne.s32 s16, $0x4  }
.Ltmp7:
0x113: {  	_ = 	snop;
	(pc) =	sbr.rel @!p1 .LBB2_18-.Ltmp7, $1  }
0x114: {  	_ =	sdelay $0x3  }
.LBB2_10:
0x115: {  	s17 =	smul.u32 $0x1400, s16;
	_ =	sdelay $0x1  }
0x116: {  	s17 =	sadd.s32 s21, s17  }
0x117: {  	s17 =	sshrl.u32 s17, $0x3  }
0x118: {  	s18 =	sadd.s32 s6, s17  }
0x119: {  	[tilespmem:s15], [sflag:$0x3] =	stream.linear.gather [hbm4b:s18+s15], $0x1400, $0x38;
	[tilespmem:$0x1E980] =	vst v63  }
0x11a: {  	_ =	swait.ge [sflag:s25], $0x1400  }
0x11b: {  	[sflag:s25] =	ssyncset.done $0x0  }
0x11c: {  	s24 =	sadd.s32 s7, s17;
	[sflag:s25] =	ssyncadd.s32 $0xFFFFEC00  }
0x11d: {  	[tilespmem:s28], [sflag:$0x3] =	stream.linear.gather [hbm4b:s24+s15], $0x1400, $0x38;
	[tilespmem:$0x1E980] =	vst v63  }
0x11e: {  	_ =	swait.ge [sflag:s25], $0x1400  }
0x11f: {  	[sflag:s25] =	ssyncset.done $0x0  }
0x120: {  	s17 =	sadd.s32 s8, s17;
	[sflag:s25] =	ssyncadd.s32 $0xFFFFEC00  }
0x121: {  	[tilespmem:s29], [sflag:$0x3] =	stream.linear.gather [hbm4b:s17+s15], $0x1400, $0x38;
	[tilespmem:$0x1E980] =	vst v63  }
0x122: {  	_ =	swait.ge [sflag:s25], $0x1400  }
0x123: {  	[sflag:s25] =	ssyncset.done $0x0  }
0x124: {  	[sflag:s25] =	ssyncadd.s32 $0xFFFFEC00  }
0x125: {  	[tilespmem:s26], [sflag:$0x1] =	stream.indirect.gather [hbm4b:s1+s30], $0x80, s15, s30, $0xb8;
	[tilespmem:$0x1E980] =	vst v63  }
0x126: {  	s17 =	simm.s32 $0x0  }
0x127: {  	[tilespmem:s11], [sflag:$0x2] =	stream.indirect.gather [hbm4b:s1+s30], $0x80, s0, s30, $0xb8;
	[tilespmem:$0x1E980] =	vst v63  }
.LBB2_11:
0x128: {  	_ =	swait.ge [sflag:s12], $0x2000  }
0x129: {  	[sflag:s12] =	ssyncset.done $0x0  }
0x12a: {  	s18 =	sshll.u32 s17, $0x8;
	[sflag:s12] =	ssyncadd.s32 $0xFFFFE000  }
0x12b: {  	v2 =	vld [tilespmem:s18+$0x0];
	_ =	sdelay $0x1  }
0x12c: {  	v3 =	vld [tilespmem:s18+$0x1400];
	_ =	sdelay $0x4  }
0x12d: {  	v4 =	vld [tilespmem:s18+$0x2800]  }
0x12e: {  	v2 =	vld.idx.msk [tilespmem:v2+s31+$0x0], $0xffff;
	_ =	sdelay $0x1  }
0x12f: {  	v3 =	vld.idx.msk [tilespmem:v3+s31+$0x0], $0xffff;
	_ =	sdelay $0x2  }
0x130: {  	v2 =	vmul.f32 v4, v2;
	_ =	sdelay $0x1  }
0x131: {  	v2 =	vmul.f32 v2, v3;
	_ =	sdelay $0x1  }
0x132: {  	[tilespmem:$0xA400] =	vst v2  }
0x133: {  	v2 =	vld [tilespmem:s18+$0x10];
	_ =	sdelay $0x1  }
0x134: {  	v3 =	vld [tilespmem:s18+$0x1410];
	_ =	sdelay $0x4  }
0x135: {  	v4 =	vld [tilespmem:s18+$0x2810]  }
0x136: {  	v2 =	vld.idx.msk [tilespmem:v2+s31+$0x0], $0xffff;
	_ =	sdelay $0x1  }
0x137: {  	v3 =	vld.idx.msk [tilespmem:v3+s31+$0x0], $0xffff;
	_ =	sdelay $0x2  }
0x138: {  	v2 =	vmul.f32 v4, v2;
	_ =	sdelay $0x1  }
0x139: {  	v2 =	vmul.f32 v2, v3;
	_ =	sdelay $0x1  }
0x13a: {  	[tilespmem:$0xA410] =	vst v2  }
0x13b: {  	v2 =	vld [tilespmem:s18+$0x20];
	_ =	sdelay $0x1  }
0x13c: {  	v3 =	vld [tilespmem:s18+$0x1420];
	_ =	sdelay $0x4  }
0x13d: {  	v4 =	vld [tilespmem:s18+$0x2820]  }
0x13e: {  	v2 =	vld.idx.msk [tilespmem:v2+s31+$0x0], $0xffff;
	_ =	sdelay $0x1  }
0x13f: {  	v3 =	vld.idx.msk [tilespmem:v3+s31+$0x0], $0xffff;
	_ =	sdelay $0x2  }
0x140: {  	v2 =	vmul.f32 v4, v2;
	_ =	sdelay $0x1  }
0x141: {  	v2 =	vmul.f32 v2, v3;
	_ =	sdelay $0x1  }
0x142: {  	[tilespmem:$0xA420] =	vst v2  }
0x143: {  	v2 =	vld [tilespmem:s18+$0x30];
	_ =	sdelay $0x1  }
0x144: {  	v3 =	vld [tilespmem:s18+$0x1430];
	_ =	sdelay $0x4  }
0x145: {  	v4 =	vld [tilespmem:s18+$0x2830]  }
0x146: {  	v2 =	vld.idx.msk [tilespmem:v2+s31+$0x0], $0xffff;
	_ =	sdelay $0x1  }
0x147: {  	v3 =	vld.idx.msk [tilespmem:v3+s31+$0x0], $0xffff;
	_ =	sdelay $0x2  }
0x148: {  	s19 =	simm.s32 $0x0;
	v2 =	vmul.f32 v4, v2  }
0x149: {  	v4 =	vmov s19  }
0x14a: {  	v2 =	vmul.f32 v2, v3;
	v3 =	vand.u32 $0xFFFFFFFE, v4  }
0x14b: {  	v3 =	vbroadcast v3, $0x0;
	_ =	sdelay $0x3  }
0x14c: {  	s19 =	simm.s32 $0x6480;
	[tilespmem:$0xA430] =	vst v2  }
0x14d: {  	v6 =	vld [tilespmem:s19+$0xFFFFFFF0]  }
0x14e: {  	v7 =	vld.idx.msk [tilespmem:v3+s13+$0x0], $0xffff  }
0x14f: {  	v8 =	vld [tilespmem:s19+$0xFFFFFF80]  }
0x150: {  	v9 =	vld [tilespmem:s19+$0xFFFFFFA0]  }
0x151: {  	v5 =	vld [tilespmem:s19+$0xFFFFFFB0]  }
0x152: {  	v4 =	vld [tilespmem:s19+$0xFFFFFFD0]  }
0x153: {  	v11 =	vld [tilespmem:s19+$0xFFFFFF90];
	v6 =	vmul.f32 v6, v7  }
0x154: {  	v10 =	vld [tilespmem:s19+$0xFFFFFFE0];
	v8 =	vmul.f32 v8, v7  }
0x155: {  	v12 =	vld [tilespmem:s19+$0xFFFFFFC0];
	v9 =	vmul.f32 v9, v7;
	[tilespmem:s19+$0xFFFFFFF0] =	vst v6  }
0x156: {  	v5 =	vmul.f32 v5, v7;
	[tilespmem:s19+$0xFFFFFF80] =	vst v8  }
0x157: {  	s20 =	simm.s32 $0x1;
	v4 =	vmul.f32 v4, v7;
	[tilespmem:s19+$0xFFFFFFA0] =	vst v9  }
0x158: {  	v6 =	vmul.f32 v11, v7;
	[tilespmem:s19+$0xFFFFFFB0] =	vst v5;
	v8 =	vmov s20  }
0x159: {  	v2 =	vld [tilespmem:s19+$0x0];
	v5 =	vmul.f32 v10, v7;
	[tilespmem:s19+$0xFFFFFFD0] =	vst v4  }
0x15a: {  	v3 =	vld [tilespmem:s19+$0x10];
	v4 =	vmul.f32 v12, v7;
	[tilespmem:s19+$0xFFFFFF90] =	vst v6  }
0x15b: {  	[tilespmem:s19+$0xFFFFFFE0] =	vst v5;
	v6 =	vld [tilespmem:s19+$0x30]  }
0x15c: {  	[tilespmem:s19+$0xFFFFFFC0] =	vst v4;
	v5 =	vld [tilespmem:s19+$0x70]  }
0x15d: {  	s22 =	simm.s32 $0x2;
	s23 =	simm.s32 $0x6480;
	s20 =	sadd.s32 $0x1400, s18;
	v4 =	vld.idx.msk [tilespmem:v8+s13+$0x0], $0xffff  }
.LBB2_12:
0x15e: {  	p1 =	sne.s32 s22, $0x3E  }
0x15f: {  	v7 =	vld [tilespmem:s19+$0x20];
	s23 =	sadd.s32 $0x100, s23;
	s24 =	smov.u32 s22;
	s22 =	sadd.s32 $0x2, s22  }
0x160: {  	v8 =	vld [tilespmem:s19+$0x40]  }
0x161: {  	v9 =	vld [tilespmem:s19+$0x50]  }
0x162: {  	v10 =	vld [tilespmem:s19+$0x60];
	_ =	sdelay $0x1  }
0x163: {  	v2 =	vmul.f32 v2, v4;
	v3 =	vmul.f32 v3, v4  }
0x164: {  	v6 =	vmul.f32 v6, v4;
	v7 =	vmul.f32 v7, v4  }
0x165: {  	v11 =	vmov s24;
	v8 =	vmul.f32 v8, v4;
	[tilespmem:s19+$0x0] =	vst v2;
	v9 =	vmul.f32 v9, v4  }
0x166: {  	v11 =	vand.u32 $0xFFFFFFFE, v11;
	v2 =	vld [tilespmem:s23+$0x0];
	[tilespmem:s19+$0x30] =	vst v6;
	v6 =	vmul.f32 v10, v4;
	v4 =	vmul.f32 v5, v4  }
0x167: {  	v5 =	vbroadcast v11, $0x0;
	[tilespmem:s19+$0x10] =	vst v3  }
0x168: {  	[tilespmem:s19+$0x70] =	vst v4  }
0x169: {  	v4 =	vld [tilespmem:s23+$0xFFFFFFD0];
	[tilespmem:s19+$0x20] =	vst v7  }
0x16a: {  	v7 =	vld [tilespmem:s23+$0xFFFFFFB0];
	[tilespmem:s19+$0x60] =	vst v6  }
0x16b: {  	v6 =	vld [tilespmem:s23+$0xFFFFFFE0];
	[tilespmem:s19+$0x40] =	vst v8  }
0x16c: {  	v8 =	vld [tilespmem:s23+$0xFFFFFFF0];
	[tilespmem:s19+$0x50] =	vst v9;
	s19 =	smov.u32 s23  }
0x16d: {  	v5 =	vld.idx.msk [tilespmem:v5+s13+$0x0], $0xffff  }
0x16e: {  	v9 =	vld [tilespmem:s23+$0xFFFFFF80]  }
0x16f: {  	v10 =	vld [tilespmem:s23+$0xFFFFFFA0]  }
0x170: {  	v11 =	vld [tilespmem:s23+$0xFFFFFF90]  }
0x171: {  	v12 =	vld [tilespmem:s23+$0xFFFFFFC0]  }
0x172: {  	v3 =	vld [tilespmem:s23+$0x10]  }
0x173: {  	v8 =	vmul.f32 v8, v5;
	v9 =	vmul.f32 v9, v5  }
0x174: {  	v6 =	vmul.f32 v6, v5;
	v10 =	vmul.f32 v10, v5  }
0x175: {  	v7 =	vmul.f32 v7, v5;
	v11 =	vmul.f32 v11, v5;
	[tilespmem:s23+$0xFFFFFFF0] =	vst v8  }
0x176: {  	v4 =	vmul.f32 v4, v5;
	[tilespmem:s23+$0xFFFFFF80] =	vst v9;
	v8 =	vmul.f32 v12, v5  }
0x177: {  	s24 =	sadd.s32 $0x1, s24;
	[tilespmem:s23+$0xFFFFFFA0] =	vst v10  }
0x178: {  	[tilespmem:s23+$0xFFFFFFB0] =	vst v7;
	v7 =	vmov s24  }
.Ltmp8:
0x179: {  	[tilespmem:s23+$0xFFFFFFD0] =	vst v4;
	(pc) =	sbr.rel @p1 .LBB2_12-.Ltmp8, $4  }
0x17a: {  	[tilespmem:s23+$0xFFFFFF90] =	vst v11  }
0x17b: {  	[tilespmem:s23+$0xFFFFFFE0] =	vst v6;
	v6 =	vld [tilespmem:s23+$0x30]  }
0x17c: {  	[tilespmem:s23+$0xFFFFFFC0] =	vst v8;
	v5 =	vld [tilespmem:s23+$0x70]  }
0x17d: {  	v4 =	vld.idx.msk [tilespmem:v7+s13+$0x0], $0xffff  }
0x17e: {  	_ =	sdelay $0x2  }
0x17f: {  	v7 =	vld [tilespmem:s19+$0x20]  }
0x180: {  	v8 =	vld [tilespmem:s19+$0x60];
	v2 =	vmul.f32 v2, v4  }
0x181: {  	v9 =	vld [tilespmem:s19+$0x40];
	v6 =	vmul.f32 v6, v4  }
0x182: {  	v10 =	vld [tilespmem:s19+$0x50];
	v3 =	vmul.f32 v3, v4;
	[tilespmem:s19+$0x0] =	vst v2  }
0x183: {  	[tilespmem:s19+$0x30] =	vst v6;
	v2 =	vmul.f32 v5, v4  }
0x184: {  	v5 =	vmul.f32 v7, v4;
	[tilespmem:s19+$0x10] =	vst v3  }
0x185: {  	v3 =	vmul.f32 v8, v4;
	[tilespmem:s19+$0x70] =	vst v2  }
0x186: {  	v2 =	vmul.f32 v9, v4;
	[tilespmem:s19+$0x20] =	vst v5  }
0x187: {  	v4 =	vmul.f32 v10, v4;
	[tilespmem:s19+$0x60] =	vst v3  }
0x188: {  	[tilespmem:s19+$0x40] =	vst v2  }
0x189: {  	p1 =	seq.s32 s17, $0x13;
	[tilespmem:s19+$0x50] =	vst v4  }
0x18a: {  	[spmem:s2] =	stream.indirect.scatter.add.f32 [tilespmem:s26], [sflag:$0x3], $0x80, s20, s30, $0xb8;
	[tilespmem:$0x1E980] =	vst v63  }
0x18b: {  	s19 =	sshll.u32 @!p1 s17, $0x8;
	_ =	swait.ge [sflag:s25], $0x2000  }
0x18c: {  	s22 =	simm.s32 @!p1 $0x6400;
	s19 =	sand.u32 @!p1 $0x3FFFFF00, s19;
	[sflag:s25] =	ssyncset.done $0x0  }
0x18d: {  	s20 =	simm.s32 @!p1 $0x40;
	s19 =	sadd.s32 @!p1 $0x100, s19;
	[sflag:s25] =	ssyncadd.s32 $0xFFFFE000  }
0x18e: {  	[tilespmem:s22], [sflag:$0x1] =	stream.indirect.gather @!p1 [hbm4b:s1+s20], $0x80, s19, s20, $0xb8;
	[tilespmem:$0x1E980] =	vst v63  }
0x18f: {  	_ =	swait.ge [sflag:s14], $0x2000  }
0x190: {  	[sflag:s14] =	ssyncset.done $0x0  }
0x191: {  	s23 =	sor.u32 $0x80, s18;
	[sflag:s14] =	ssyncadd.s32 $0xFFFFE000  }
0x192: {  	v2 =	vld [tilespmem:s23+$0x0];
	_ =	sdelay $0x1  }
0x193: {  	v3 =	vld [tilespmem:s18+$0x1480];
	_ =	sdelay $0x4  }
0x194: {  	v4 =	vld [tilespmem:s18+$0x2880]  }
0x195: {  	v2 =	vld.idx.msk [tilespmem:v2+s31+$0x0], $0xffff;
	_ =	sdelay $0x1  }
0x196: {  	v3 =	vld.idx.msk [tilespmem:v3+s31+$0x0], $0xffff;
	_ =	sdelay $0x2  }
0x197: {  	v2 =	vmul.f32 v4, v2;
	_ =	sdelay $0x1  }
0x198: {  	v2 =	vmul.f32 v2, v3;
	_ =	sdelay $0x1  }
0x199: {  	s24 =	sor.u32 $0x90, s18;
	[tilespmem:$0xA400] =	vst v2  }
0x19a: {  	v2 =	vld [tilespmem:s24+$0x0];
	_ =	sdelay $0x1  }
0x19b: {  	v3 =	vld [tilespmem:s18+$0x1490];
	_ =	sdelay $0x4  }
0x19c: {  	v4 =	vld [tilespmem:s18+$0x2890]  }
0x19d: {  	v2 =	vld.idx.msk [tilespmem:v2+s31+$0x0], $0xffff;
	_ =	sdelay $0x1  }
0x19e: {  	v3 =	vld.idx.msk [tilespmem:v3+s31+$0x0], $0xffff;
	_ =	sdelay $0x2  }
0x19f: {  	v2 =	vmul.f32 v4, v2;
	_ =	sdelay $0x1  }
0x1a0: {  	v2 =	vmul.f32 v2, v3;
	_ =	sdelay $0x1  }
0x1a1: {  	s20 =	sor.u32 $0xA0, s18;
	[tilespmem:$0xA410] =	vst v2  }
0x1a2: {  	v2 =	vld [tilespmem:s20+$0x0];
	_ =	sdelay $0x1  }
0x1a3: {  	v3 =	vld [tilespmem:s18+$0x14A0];
	_ =	sdelay $0x4  }
0x1a4: {  	v4 =	vld [tilespmem:s18+$0x28A0]  }
0x1a5: {  	v2 =	vld.idx.msk [tilespmem:v2+s31+$0x0], $0xffff;
	_ =	sdelay $0x1  }
0x1a6: {  	v3 =	vld.idx.msk [tilespmem:v3+s31+$0x0], $0xffff;
	_ =	sdelay $0x2  }
0x1a7: {  	v2 =	vmul.f32 v4, v2;
	_ =	sdelay $0x1  }
0x1a8: {  	v2 =	vmul.f32 v2, v3;
	_ =	sdelay $0x1  }
0x1a9: {  	s22 =	sor.u32 $0xB0, s18;
	[tilespmem:$0xA420] =	vst v2  }
0x1aa: {  	v2 =	vld [tilespmem:s22+$0x0];
	_ =	sdelay $0x1  }
0x1ab: {  	v3 =	vld [tilespmem:s18+$0x14B0];
	_ =	sdelay $0x4  }
0x1ac: {  	v4 =	vld [tilespmem:s18+$0x28B0]  }
0x1ad: {  	v2 =	vld.idx.msk [tilespmem:v2+s31+$0x0], $0xffff;
	_ =	sdelay $0x1  }
0x1ae: {  	v3 =	vld.idx.msk [tilespmem:v3+s31+$0x0], $0xffff;
	_ =	sdelay $0x2  }
0x1af: {  	s23 =	simm.s32 $0x0;
	v2 =	vmul.f32 v4, v2  }
0x1b0: {  	v4 =	vmov s23  }
0x1b1: {  	v2 =	vmul.f32 v2, v3;
	v3 =	vand.u32 $0xFFFFFFFE, v4  }
0x1b2: {  	v3 =	vbroadcast v3, $0x0;
	_ =	sdelay $0x3  }
0x1b3: {  	s19 =	simm.s32 $0x8480;
	[tilespmem:$0xA430] =	vst v2  }
0x1b4: {  	v6 =	vld [tilespmem:s19+$0xFFFFFFF0]  }
0x1b5: {  	v7 =	vld.idx.msk [tilespmem:v3+s13+$0x0], $0xffff  }
0x1b6: {  	v8 =	vld [tilespmem:s19+$0xFFFFFF80]  }
0x1b7: {  	v62 =	vld [tilespmem:s19+$0xFFFFFFA0]  }
0x1b8: {  	v5 =	vld [tilespmem:s19+$0xFFFFFFB0]  }
0x1b9: {  	v4 =	vld [tilespmem:s19+$0xFFFFFFD0]  }
0x1ba: {  	v11 =	vld [tilespmem:s19+$0xFFFFFF90];
	v6 =	vmul.f32 v6, v7  }
0x1bb: {  	v63 =	vld [tilespmem:s19+$0xFFFFFFE0];
	v8 =	vmul.f32 v8, v7  }
0x1bc: {  	v12 =	vld [tilespmem:s19+$0xFFFFFFC0];
	v9 =	vmul.f32 v62, v7;
	[tilespmem:s19+$0xFFFFFFF0] =	vst v6  }
0x1bd: {  	v5 =	vmul.f32 v5, v7;
	[tilespmem:s19+$0xFFFFFF80] =	vst v8  }
0x1be: {  	s24 =	simm.s32 $0x1;
	v4 =	vmul.f32 v4, v7;
	[tilespmem:s19+$0xFFFFFFA0] =	vst v9  }
0x1bf: {  	v6 =	vmul.f32 v11, v7;
	[tilespmem:s19+$0xFFFFFFB0] =	vst v5;
	v8 =	vmov s24  }
0x1c0: {  	v2 =	vld [tilespmem:s19+$0x0];
	v5 =	vmul.f32 v63, v7;
	[tilespmem:s19+$0xFFFFFFD0] =	vst v4  }
0x1c1: {  	v3 =	vld [tilespmem:s19+$0x10];
	v4 =	vmul.f32 v12, v7;
	[tilespmem:s19+$0xFFFFFF90] =	vst v6  }
0x1c2: {  	[tilespmem:s19+$0xFFFFFFE0] =	vst v5;
	v6 =	vld [tilespmem:s19+$0x30]  }
0x1c3: {  	[tilespmem:s19+$0xFFFFFFC0] =	vst v4;
	v5 =	vld [tilespmem:s19+$0x70]  }
0x1c4: {  	s20 =	sadd.s32 $0x1480, s18;
	s22 =	simm.s32 $0x2;
	s23 =	simm.s32 $0x8480;
	v4 =	vld.idx.msk [tilespmem:v8+s13+$0x0], $0xffff  }
.LBB2_14:
0x1c5: {  	p2 =	sne.s32 s22, $0x3E  }
0x1c6: {  	v7 =	vld [tilespmem:s19+$0x20];
	s23 =	sadd.s32 $0x100, s23;
	s24 =	smov.u32 s22;
	s22 =	sadd.s32 $0x2, s22  }
0x1c7: {  	v8 =	vld [tilespmem:s19+$0x40]  }
0x1c8: {  	v9 =	vld [tilespmem:s19+$0x50]  }
0x1c9: {  	v10 =	vld [tilespmem:s19+$0x60];
	_ =	sdelay $0x1  }
0x1ca: {  	v2 =	vmul.f32 v2, v4;
	v3 =	vmul.f32 v3, v4  }
0x1cb: {  	v6 =	vmul.f32 v6, v4;
	v7 =	vmul.f32 v7, v4  }
0x1cc: {  	v11 =	vmov s24;
	v8 =	vmul.f32 v8, v4;
	[tilespmem:s19+$0x0] =	vst v2;
	v9 =	vmul.f32 v9, v4  }
0x1cd: {  	v11 =	vand.u32 $0xFFFFFFFE, v11;
	v2 =	vld [tilespmem:s23+$0x0];
	[tilespmem:s19+$0x30] =	vst v6;
	v6 =	vmul.f32 v10, v4;
	v4 =	vmul.f32 v5, v4  }
0x1ce: {  	v5 =	vbroadcast v11, $0x0;
	[tilespmem:s19+$0x10] =	vst v3  }
0x1cf: {  	[tilespmem:s19+$0x70] =	vst v4  }
0x1d0: {  	v4 =	vld [tilespmem:s23+$0xFFFFFFD0];
	[tilespmem:s19+$0x20] =	vst v7  }
0x1d1: {  	v7 =	vld [tilespmem:s23+$0xFFFFFFB0];
	[tilespmem:s19+$0x60] =	vst v6  }
0x1d2: {  	v6 =	vld [tilespmem:s23+$0xFFFFFFE0];
	[tilespmem:s19+$0x40] =	vst v8  }
0x1d3: {  	v8 =	vld [tilespmem:s23+$0xFFFFFFF0];
	[tilespmem:s19+$0x50] =	vst v9;
	s19 =	smov.u32 s23  }
0x1d4: {  	v5 =	vld.idx.msk [tilespmem:v5+s13+$0x0], $0xffff  }
0x1d5: {  	v9 =	vld [tilespmem:s23+$0xFFFFFF80]  }
0x1d6: {  	v10 =	vld [tilespmem:s23+$0xFFFFFFA0]  }
0x1d7: {  	v11 =	vld [tilespmem:s23+$0xFFFFFF90]  }
0x1d8: {  	v12 =	vld [tilespmem:s23+$0xFFFFFFC0]  }
0x1d9: {  	v3 =	vld [tilespmem:s23+$0x10]  }
0x1da: {  	v8 =	vmul.f32 v8, v5;
	v9 =	vmul.f32 v9, v5  }
0x1db: {  	v6 =	vmul.f32 v6, v5;
	v10 =	vmul.f32 v10, v5  }
0x1dc: {  	v7 =	vmul.f32 v7, v5;
	v11 =	vmul.f32 v11, v5;
	[tilespmem:s23+$0xFFFFFFF0] =	vst v8  }
0x1dd: {  	v4 =	vmul.f32 v4, v5;
	[tilespmem:s23+$0xFFFFFF80] =	vst v9;
	v8 =	vmul.f32 v12, v5  }
0x1de: {  	s24 =	sadd.s32 $0x1, s24;
	[tilespmem:s23+$0xFFFFFFA0] =	vst v10  }
0x1df: {  	[tilespmem:s23+$0xFFFFFFB0] =	vst v7;
	v7 =	vmov s24  }
.Ltmp9:
0x1e0: {  	[tilespmem:s23+$0xFFFFFFD0] =	vst v4;
	(pc) =	sbr.rel @p2 .LBB2_14-.Ltmp9, $4  }
0x1e1: {  	[tilespmem:s23+$0xFFFFFF90] =	vst v11  }
0x1e2: {  	[tilespmem:s23+$0xFFFFFFE0] =	vst v6;
	v6 =	vld [tilespmem:s23+$0x30]  }
0x1e3: {  	[tilespmem:s23+$0xFFFFFFC0] =	vst v8;
	v5 =	vld [tilespmem:s23+$0x70]  }
0x1e4: {  	v4 =	vld.idx.msk [tilespmem:v7+s13+$0x0], $0xffff  }
0x1e5: {  	_ =	sdelay $0x1  }
0x1e6: {  	v7 =	vld [tilespmem:s19+$0x20]  }
0x1e7: {  	v10 =	vld [tilespmem:s19+$0x50]  }
0x1e8: {  	v2 =	vmul.f32 v2, v4  }
0x1e9: {  	v8 =	vld [tilespmem:s19+$0x60];
	v6 =	vmul.f32 v6, v4  }
0x1ea: {  	v9 =	vld [tilespmem:s19+$0x40];
	v3 =	vmul.f32 v3, v4;
	[tilespmem:s19+$0x0] =	vst v2  }
0x1eb: {  	v62 =	vmul.f32 v7, v4;
	[tilespmem:s19+$0x30] =	vst v6  }
0x1ec: {  	v63 =	vmul.f32 v10, v4;
	[tilespmem:s19+$0x10] =	vst v3  }
0x1ed: {  	v2 =	vmul.f32 v5, v4;
	[tilespmem:s19+$0x20] =	vst v62  }
0x1ee: {  	v3 =	vmul.f32 v8, v4;
	[tilespmem:s19+$0x50] =	vst v63  }
0x1ef: {  	[tilespmem:s19+$0x70] =	vst v2;
	v2 =	vmul.f32 v9, v4  }
0x1f0: {  	[tilespmem:s19+$0x60] =	vst v3  }
.Ltmp10:
0x1f1: {  	[tilespmem:s19+$0x40] =	vst v2;
	(pc) =	sbr.rel @p1 .LBB2_17-.Ltmp10, $4  }
0x1f2: {  	[spmem:s2] =	stream.indirect.scatter.add.f32 [tilespmem:s11], [sflag:$0x3], $0x80, s20, s30, $0xb8;
	[tilespmem:$0x1E980] =	vst v63  }
0x1f3: {  	_ =	swait.ge [sflag:s25], $0x2000  }
0x1f4: {  	[sflag:s25] =	ssyncset.done $0x0  }
0x1f5: {  	[sflag:s25] =	ssyncadd.s32 $0xFFFFE000  }
.Ltmp11:
0x1f6: {  	(pc) =	sbr.rel .LBB2_11-.Ltmp11, $4  }
0x1f7: {  	_ = 	snop  }
0x1f8: {  	s18 =	sand.u32 $0x3FFFFF00, s18  }
0x1f9: {  	s17 =	sadd.s32 $0x1, s17;
	s18 =	sadd.s32 $0x180, s18  }
0x1fa: {  	[tilespmem:s11], [sflag:$0x2] =	stream.indirect.gather [hbm4b:s1+s30], $0x80, s18, s30, $0xb8;
	[tilespmem:$0x1E980] =	vst v63  }
.LBB2_19:
0x1fb: {  	_ =	sfence.sel $0x180000  }
0x1fc: {  	[bflag:$0x0] =	sbarrier.arrive $0xFFFF  }
0x1fd: {  	_ =	strace $0x90000047  }
0x1fe: {  	[bflag:$0x2] =	sbarrier.arrive $0xFFFF  }
0x1ff: {  	p0 =	sne.s32 s4, $0x0;
	s0 =	rddreg [dreg:$0x5]  }
0x200: {  	s0 =	sadd.s32 @!p0 $0x100000, s0  }
0x201: {  	[sflag:s0] =	ssyncadd.tile.s32 @!p0 $0x1;
	_ =	shalt  }
.Lfunc_end2:
_tile_overlayer_lowered:
.L_overlay_start_2:
0x202: {  	(tag) =	ssettag $0x2  }
0x203: {  	s0 =	rddreg [dreg:$0x0];
	s2 =	stileid.u32  }
0x204: {  	s1 =	rddreg [dreg:$0x1];
	p0 =	sne.s32 s2, $0x0  }
0x205: {  	s3 =	rddreg [dreg:$0x2];
	[bflag:$0x3] =	sbarrier.arrive $0xFFFF;
	s2 =	simm.s32 @!p0 $0x1C03  }
0x206: {  	[timem:s3], [sflag:s2] =	dma.local @!p0 [hbm:s0], s1  }
0x207: {  	s0 =	simm.s32 @!p0 $0x3  }
0x208: {  	_ =	swait.ge @!p0 [sflag:s0], s1  }
0x209: {  	s1 =	ssub.s32 @!p0 $0x0, s1;
	[sflag:s0] =	ssyncset.done @!p0 $0x0  }
0x20a: {  	[sflag:s0] =	ssyncadd.s32 @!p0 s1  }
0x20b: {  	[bflag:$0x3] =	sbarrier.arrive $0xFFFF  }
0x20c: {  	_ =	shalt  }

</sc_bundles>
